<compile_context>
chip_gen: v7x
topology: tpu7x:2x2x1
jax: 0.10.2.dev20260603
libtpu: 0.0.44.dev20260713+nightly
codegen_flags: <defaults>
</compile_context>

<pallas_src>
import functools

import jax
import jax.numpy as jnp
from jax import lax
from jax.experimental import pallas as pl
from jax.experimental.pallas import tpu as pltpu
from jax.experimental.pallas import tpu_sc as plsc

_N, _D, _E = 10000, 128, 320000
_NC, _NS = 2, 16
_NW = _NC * _NS
_EPW = _E // _NW
_C = 125
_NCH = _EPW // _C
_HCH = _NCH // 2
_NP = 10112
_RPS = _NP // _NS


def _seg_sum_sc(x, ridx, cidx, zblk):
    mesh = plsc.VectorSubcoreMesh(core_axis_name="c", subcore_axis_name="s")

    @functools.partial(
        pl.kernel,
        out_type=jax.ShapeDtypeStruct((_NC, _NP, _D), jnp.float32),
        mesh=mesh,
        scratch_types=[
            pltpu.VMEM((_HCH, _C), jnp.int32),
            pltpu.VMEM((_HCH, _C), jnp.int32),
            pltpu.VMEM((_C, _D), jnp.float32),
            pltpu.VMEM((_C, _D), jnp.float32),
            pltpu.VMEM_SHARED((_NP, _D), jnp.float32),
            pltpu.SemaphoreType.DMA,
            pltpu.SemaphoreType.DMA,
        ],
    )
    def k(x_hbm, ridx_hbm, cidx_hbm, z_hbm, out_hbm,
          ridx_v, cidx_v, g0, g1, acc, sem0, sem1):
        c = lax.axis_index("c")
        s = lax.axis_index("s")
        wid = s * _NC + c
        for half in range(2):
            pltpu.sync_copy(ridx_hbm.at[wid, pl.ds(half * _HCH, _HCH)],
                            ridx_v)
            pltpu.sync_copy(cidx_hbm.at[wid, pl.ds(half * _HCH, _HCH)],
                            cidx_v)

            def cslice(j):
                return cidx_v.at[j]

            pltpu.async_copy(x_hbm.at[cslice(0)], g0, sem0)
            if half == 0:
                pltpu.sync_copy(z_hbm, acc.at[pl.ds(s * _RPS, _RPS)])
                plsc.subcore_barrier()

            def body(jj, carry):
                j0 = 2 * jj
                pltpu.async_copy(x_hbm.at[cslice(j0 + 1)], g1, sem1)
                pltpu.make_async_copy(x_hbm.at[cslice(j0)], g0, sem0).wait()
                pltpu.sync_copy(g0, acc.at[ridx_v.at[j0]], add=True)

                @pl.when(jj < _HCH // 2 - 1)
                def _():
                    pltpu.async_copy(x_hbm.at[cslice(j0 + 2)], g0, sem0)

                pltpu.make_async_copy(
                    x_hbm.at[cslice(j0 + 1)], g1, sem1).wait()
                pltpu.sync_copy(g1, acc.at[ridx_v.at[j0 + 1]], add=True)
                return carry

            lax.fori_loop(0, _HCH // 2, body, 0)
        plsc.subcore_barrier()
        pltpu.sync_copy(acc.at[pl.ds(s * _RPS, _RPS)],
                        out_hbm.at[c, pl.ds(s * _RPS, _RPS)])

    return k(x, ridx, cidx, zblk)


def _dense_body(x_ref, a_ref, w1_ref, w2_ref, g_ref, b_ref, o_ref):
    agg = a_ref[0, :_N, :] + a_ref[1, :_N, :]
    y = jnp.dot(x_ref[...], w1_ref[...],
                preferred_element_type=jnp.float32)
    y = y + jnp.dot(agg, w2_ref[...],
                    preferred_element_type=jnp.float32)
    mu = jnp.mean(y, axis=0, keepdims=True)
    yc = y - mu
    var = jnp.mean(yc * yc, axis=0, keepdims=True)
    o_ref[...] = jnp.maximum(
        yc * jax.lax.rsqrt(var + 1e-5) * g_ref[...] + b_ref[...], 0.0)


def _dense(x, a, w1, w2, gamma, beta):
    return pl.pallas_call(
        _dense_body,
        out_shape=jax.ShapeDtypeStruct((_N, _D), jnp.float32),
    )(x, a, w1, w2, gamma.reshape(1, _D), beta.reshape(1, _D))


def kernel(x, local_edge_index, W1_0, W2_0, gamma0, beta0,
           W1_1, W2_1, gamma1, beta1):
    row = local_edge_index[0].reshape(_NW, _NCH, _C)
    col = local_edge_index[1].reshape(_NW, _NCH, _C)
    zblk = jnp.zeros((_RPS, _D), jnp.float32)
    a0 = _seg_sum_sc(x, row, col, zblk)
    h = _dense(x, a0, W1_0, W2_0, gamma0, beta0)
    a1 = _seg_sum_sc(h, row, col, zblk)
    return _dense(h, a1, W1_1, W2_1, gamma1, beta1)

# --- scband reference (transcript-rebuilt; emitter-appended) ---
"""Pipeline reference for scband-hierarchical-kgnn-37177236914933 (READ-ONLY COPY).

The authoritative reference and input builder live on the scoring server;
editing this copy changes nothing except your own understanding.
"""

import jax, jax.numpy as jnp
import numpy as np

N = 10000
E = 320000
D = 128


def setup_inputs(seed: int = 0) -> dict:
    key = jax.random.key(seed)
    ks = jax.random.split(key, 12)
    x = jax.random.normal(ks[0], (N, D), dtype=jnp.float32)
    local_edge_index = jax.random.randint(ks[1], (2, E), 0, N)
    s = 1.0 / np.sqrt(D)
    W1_0 = jax.random.uniform(ks[2], (D, D), dtype=jnp.float32, minval=-s, maxval=s)
    W2_0 = jax.random.uniform(ks[3], (D, D), dtype=jnp.float32, minval=-s, maxval=s)
    gamma0 = jnp.ones((D,), dtype=jnp.float32)
    beta0 = jnp.zeros((D,), dtype=jnp.float32)
    W1_1 = jax.random.uniform(ks[4], (D, D), dtype=jnp.float32, minval=-s, maxval=s)
    W2_1 = jax.random.uniform(ks[5], (D, D), dtype=jnp.float32, minval=-s, maxval=s)
    gamma1 = jnp.ones((D,), dtype=jnp.float32)
    beta1 = jnp.zeros((D,), dtype=jnp.float32)
    return {"x": x, "local_edge_index": local_edge_index,
            "W1_0": W1_0, "W2_0": W2_0, "gamma0": gamma0, "beta0": beta0,
            "W1_1": W1_1, "W2_1": W2_1, "gamma1": gamma1, "beta1": beta1}


def _kgnn_conv(x, edge_index, W1, W2, gamma, beta):
    # out = x @ W1 + scatter_add over edges of (x[col] @ W2)
    out = x @ W1
    row = edge_index[0]
    col = edge_index[1]
    neighbor_features = jnp.take(x, col, axis=0) @ W2
    agg = jax.ops.segment_sum(neighbor_features, row, num_segments=x.shape[0])
    out = out + agg
    # BatchNorm1d (training-mode batch statistics, biased variance, eps=1e-5)
    mean = jnp.mean(out, axis=0)
    var = jnp.var(out, axis=0)
    out = (out - mean) / jnp.sqrt(var + 1e-5) * gamma + beta
    return jax.nn.relu(out)


def reference(x, local_edge_index, W1_0, W2_0, gamma0, beta0, W1_1, W2_1, gamma1, beta1):
    # KGNN with num_layers=2, use_global=False, dropout=0.0 (no-op)
    h = _kgnn_conv(x, local_edge_index, W1_0, W2_0, gamma0, beta0)
    h = _kgnn_conv(h, local_edge_index, W1_1, W2_1, gamma1, beta1)
    return h

if __name__ == "__main__":
    import jax
    _d = setup_inputs()
    print(jax.jit(kernel)(*tuple(_d.values())))

</pallas_src>

<mosaic_0001>
#map = affine_map<(d0, d1) -> (0, 0)>
#map1 = affine_map<(d0, d1) -> (0, 0, 0)>
module attributes {stable_mosaic.version = 14 : i64} {
  func.func @k(%arg0: i32, %arg1: i32, %arg2: memref<10000x128xf32, #tpu.memory_space<hbm>>, %arg3: memref<32x80x125xi32, #tpu.memory_space<hbm>>, %arg4: memref<32x80x125xi32, #tpu.memory_space<hbm>>, %arg5: memref<632x128xf32, #tpu.memory_space<hbm>>, %arg6: memref<2x10112x128xf32, #tpu.memory_space<hbm>>, %arg7: memref<40x125xi32, #tpu.memory_space<vmem>>, %arg8: memref<40x125xi32, #tpu.memory_space<vmem>>, %arg9: memref<125x128xf32, #tpu.memory_space<vmem>>, %arg10: memref<125x128xf32, #tpu.memory_space<vmem>>, %arg11: memref<10112x128xf32, #tpu.memory_space<vmem_shared>>, %arg12: memref<!tpu.dma_semaphore, #tpu.memory_space<semaphore_mem>>, %arg13: memref<!tpu.dma_semaphore, #tpu.memory_space<semaphore_mem>>) attributes {dimension_semantics = [#tpu.dimension_semantics<core_parallel>, #tpu.dimension_semantics<subcore_parallel>], iteration_bounds = array<i64: 2, 16>, scalar_prefetch = 0 : i64, scratch_operands = 7 : i64, tpu.core_type = #tpu.core_type<sc_vector_subcore>, window_params = [{transform_indices = #map}, {transform_indices = #map1}, {transform_indices = #map1}, {transform_indices = #map}, {transform_indices = #map1}]} {
    %mul3A = arith.constant 2 : i32
    %mul3A_0 = arith.muli %arg1, %mul3A : i32
    %add3A = arith.addi %mul3A_0, %arg0 : i32
    "tpu.region"() ({
      %run_scoped3A = tpu.sem_alloc : memref<!tpu.dma_semaphore, #tpu.memory_space<semaphore_mem>>
      %dma_start3A_32 = arith.constant 0 : i32
      %dma_start3A_33 = arith.constant 0 : i32
      %dma_start3A_34 = tpu.memref_slice %arg3[%add3A, %dma_start3A_32, %dma_start3A_33] : memref<32x80x125xi32, #tpu.memory_space<hbm>> -> memref<1x40x125xi32, #tpu.memory_space<hbm>>
      %dma_start3A_35 = tpu.memref_squeeze %dma_start3A_34 : memref<1x40x125xi32, #tpu.memory_space<hbm>> -> memref<40x125xi32, #tpu.memory_space<hbm>>
      %dma_start3A_36 = arith.constant 0 : i32
      %dma_start3A_37 = arith.constant 0 : i32
      %dma_start3A_38 = tpu.memref_slice %arg3[%add3A, %dma_start3A_36, %dma_start3A_37] : memref<32x80x125xi32, #tpu.memory_space<hbm>> -> memref<1x40x125xi32, #tpu.memory_space<hbm>>
      %dma_start3A_39 = tpu.memref_squeeze %dma_start3A_38 : memref<1x40x125xi32, #tpu.memory_space<hbm>> -> memref<40x125xi32, #tpu.memory_space<hbm>>
      tpu.enqueue_dma source(%dma_start3A_39 : memref<40x125xi32, #tpu.memory_space<hbm>>) target(%arg7 : memref<40x125xi32, #tpu.memory_space<vmem>>) target_semaphore(%run_scoped3A : memref<!tpu.dma_semaphore, #tpu.memory_space<semaphore_mem>>)
      %dma_wait3A = arith.constant 0 : i32
      %dma_wait3A_40 = arith.constant 0 : i32
      %dma_wait3A_41 = tpu.memref_slice %arg3[%add3A, %dma_wait3A, %dma_wait3A_40] : memref<32x80x125xi32, #tpu.memory_space<hbm>> -> memref<1x40x125xi32, #tpu.memory_space<hbm>>
      %dma_wait3A_42 = tpu.memref_squeeze %dma_wait3A_41 : memref<1x40x125xi32, #tpu.memory_space<hbm>> -> memref<40x125xi32, #tpu.memory_space<hbm>>
      %dma_wait3A_43 = arith.constant 0 : i32
      %dma_wait3A_44 = arith.constant 0 : i32
      %dma_wait3A_45 = tpu.memref_slice %arg3[%add3A, %dma_wait3A_43, %dma_wait3A_44] : memref<32x80x125xi32, #tpu.memory_space<hbm>> -> memref<1x40x125xi32, #tpu.memory_space<hbm>>
      %dma_wait3A_46 = tpu.memref_squeeze %dma_wait3A_45 : memref<1x40x125xi32, #tpu.memory_space<hbm>> -> memref<40x125xi32, #tpu.memory_space<hbm>>
      tpu.wait_dma2 semaphore(%run_scoped3A : memref<!tpu.dma_semaphore, #tpu.memory_space<semaphore_mem>>) src(%dma_wait3A_46 : memref<40x125xi32, #tpu.memory_space<hbm>>) dst(%arg7 : memref<40x125xi32, #tpu.memory_space<vmem>>)
      tpu.yield
    }) : () -> ()
    "tpu.region"() ({
      %run_scoped3A = tpu.sem_alloc : memref<!tpu.dma_semaphore, #tpu.memory_space<semaphore_mem>>
      %dma_start3A_32 = arith.constant 0 : i32
      %dma_start3A_33 = arith.constant 0 : i32
      %dma_start3A_34 = tpu.memref_slice %arg4[%add3A, %dma_start3A_32, %dma_start3A_33] : memref<32x80x125xi32, #tpu.memory_space<hbm>> -> memref<1x40x125xi32, #tpu.memory_space<hbm>>
      %dma_start3A_35 = tpu.memref_squeeze %dma_start3A_34 : memref<1x40x125xi32, #tpu.memory_space<hbm>> -> memref<40x125xi32, #tpu.memory_space<hbm>>
      %dma_start3A_36 = arith.constant 0 : i32
      %dma_start3A_37 = arith.constant 0 : i32
      %dma_start3A_38 = tpu.memref_slice %arg4[%add3A, %dma_start3A_36, %dma_start3A_37] : memref<32x80x125xi32, #tpu.memory_space<hbm>> -> memref<1x40x125xi32, #tpu.memory_space<hbm>>
      %dma_start3A_39 = tpu.memref_squeeze %dma_start3A_38 : memref<1x40x125xi32, #tpu.memory_space<hbm>> -> memref<40x125xi32, #tpu.memory_space<hbm>>
      tpu.enqueue_dma source(%dma_start3A_39 : memref<40x125xi32, #tpu.memory_space<hbm>>) target(%arg8 : memref<40x125xi32, #tpu.memory_space<vmem>>) target_semaphore(%run_scoped3A : memref<!tpu.dma_semaphore, #tpu.memory_space<semaphore_mem>>)
      %dma_wait3A = arith.constant 0 : i32
      %dma_wait3A_40 = arith.constant 0 : i32
      %dma_wait3A_41 = tpu.memref_slice %arg4[%add3A, %dma_wait3A, %dma_wait3A_40] : memref<32x80x125xi32, #tpu.memory_space<hbm>> -> memref<1x40x125xi32, #tpu.memory_space<hbm>>
      %dma_wait3A_42 = tpu.memref_squeeze %dma_wait3A_41 : memref<1x40x125xi32, #tpu.memory_space<hbm>> -> memref<40x125xi32, #tpu.memory_space<hbm>>
      %dma_wait3A_43 = arith.constant 0 : i32
      %dma_wait3A_44 = arith.constant 0 : i32
      %dma_wait3A_45 = tpu.memref_slice %arg4[%add3A, %dma_wait3A_43, %dma_wait3A_44] : memref<32x80x125xi32, #tpu.memory_space<hbm>> -> memref<1x40x125xi32, #tpu.memory_space<hbm>>
      %dma_wait3A_46 = tpu.memref_squeeze %dma_wait3A_45 : memref<1x40x125xi32, #tpu.memory_space<hbm>> -> memref<40x125xi32, #tpu.memory_space<hbm>>
      tpu.wait_dma2 semaphore(%run_scoped3A : memref<!tpu.dma_semaphore, #tpu.memory_space<semaphore_mem>>) src(%dma_wait3A_46 : memref<40x125xi32, #tpu.memory_space<hbm>>) dst(%arg8 : memref<40x125xi32, #tpu.memory_space<vmem>>)
      tpu.yield
    }) : () -> ()
    %dma_start3A = arith.constant 0 : i32
    %dma_start3A_1 = arith.constant 0 : i32
    %dma_start3A_2 = tpu.memref_slice %arg8[%dma_start3A, %dma_start3A_1] : memref<40x125xi32, #tpu.memory_space<vmem>> -> memref<1x125xi32, #tpu.memory_space<vmem>>
    %dma_start3A_3 = tpu.memref_squeeze %dma_start3A_2 : memref<1x125xi32, #tpu.memory_space<vmem>> -> memref<125xi32, #tpu.memory_space<vmem>>
    %dma_start3A_4 = arith.constant 0 : i32
    %dma_start3A_5 = arith.constant 0 : i32
    %dma_start3A_6 = tpu.memref_slice %arg2[%dma_start3A_4, %dma_start3A_5] : memref<10000x128xf32, #tpu.memory_space<hbm>> -> memref<10000x128xf32, #tpu.memory_space<hbm>>
    tpu.enqueue_indirect_dma source(%dma_start3A_6 : memref<10000x128xf32, #tpu.memory_space<hbm>>) target(%arg9 : memref<125x128xf32, #tpu.memory_space<vmem>>) offsets(%dma_start3A_3 : memref<125xi32, #tpu.memory_space<vmem>>) semaphore(%arg12 : memref<!tpu.dma_semaphore, #tpu.memory_space<semaphore_mem>>)
    %mul3A_7 = arith.constant 632 : i32
    %mul3A_8 = arith.muli %arg1, %mul3A_7 : i32
    "tpu.region"() ({
      %run_scoped3A = tpu.sem_alloc : memref<!tpu.dma_semaphore, #tpu.memory_space<semaphore_mem>>
      %dma_start3A_32 = arith.constant 0 : i32
      %dma_start3A_33 = tpu.memref_slice %arg11[%mul3A_8, %dma_start3A_32] : memref<10112x128xf32, #tpu.memory_space<vmem_shared>> -> memref<632x128xf32, #tpu.memory_space<vmem_shared>>
      tpu.enqueue_dma source(%arg5 : memref<632x128xf32, #tpu.memory_space<hbm>>) target(%dma_start3A_33 : memref<632x128xf32, #tpu.memory_space<vmem_shared>>) target_semaphore(%run_scoped3A : memref<!tpu.dma_semaphore, #tpu.memory_space<semaphore_mem>>)
      %dma_wait3A = arith.constant 0 : i32
      %dma_wait3A_34 = tpu.memref_slice %arg11[%mul3A_8, %dma_wait3A] : memref<10112x128xf32, #tpu.memory_space<vmem_shared>> -> memref<632x128xf32, #tpu.memory_space<vmem_shared>>
      tpu.wait_dma2 semaphore(%run_scoped3A : memref<!tpu.dma_semaphore, #tpu.memory_space<semaphore_mem>>) src(%arg5 : memref<632x128xf32, #tpu.memory_space<hbm>>) dst(%dma_wait3A_34 : memref<632x128xf32, #tpu.memory_space<vmem_shared>>)
      tpu.yield
    }) : () -> ()
    %barrier3A = arith.constant 0 : index
    tpu.barrier barrier_id(%barrier3A)
    %scan3A = arith.constant 0 : i32
    %scan3A_9 = arith.constant 0 : i32
    %scan3A_10 = arith.constant 20 : i32
    %scan3A_11 = arith.addi %scan3A_9, %scan3A_10 : i32
    %scan3A_12 = arith.constant 1 : i32
    scf.for %scan3A_32 = %scan3A_9 to %scan3A_11 step %scan3A_12  : i32 {
      %mul3A_33 = arith.constant 2 : i32
      %mul3A_34 = arith.muli %mul3A_33, %scan3A_32 : i32
      %add3A_35 = arith.constant 1 : i32
      %add3A_36 = arith.addi %mul3A_34, %add3A_35 : i32
      %dma_start3A_37 = arith.constant 0 : i32
      %dma_start3A_38 = tpu.memref_slice %arg8[%add3A_36, %dma_start3A_37] : memref<40x125xi32, #tpu.memory_space<vmem>> -> memref<1x125xi32, #tpu.memory_space<vmem>>
      %dma_start3A_39 = tpu.memref_squeeze %dma_start3A_38 : memref<1x125xi32, #tpu.memory_space<vmem>> -> memref<125xi32, #tpu.memory_space<vmem>>
      %dma_start3A_40 = arith.constant 0 : i32
      %dma_start3A_41 = arith.constant 0 : i32
      %dma_start3A_42 = tpu.memref_slice %arg2[%dma_start3A_40, %dma_start3A_41] : memref<10000x128xf32, #tpu.memory_space<hbm>> -> memref<10000x128xf32, #tpu.memory_space<hbm>>
      tpu.enqueue_indirect_dma source(%dma_start3A_42 : memref<10000x128xf32, #tpu.memory_space<hbm>>) target(%arg10 : memref<125x128xf32, #tpu.memory_space<vmem>>) offsets(%dma_start3A_39 : memref<125xi32, #tpu.memory_space<vmem>>) semaphore(%arg13 : memref<!tpu.dma_semaphore, #tpu.memory_space<semaphore_mem>>)
      %dma_wait3A = arith.constant 0 : i32
      %dma_wait3A_43 = tpu.memref_slice %arg8[%mul3A_34, %dma_wait3A] : memref<40x125xi32, #tpu.memory_space<vmem>> -> memref<1x125xi32, #tpu.memory_space<vmem>>
      %dma_wait3A_44 = tpu.memref_squeeze %dma_wait3A_43 : memref<1x125xi32, #tpu.memory_space<vmem>> -> memref<125xi32, #tpu.memory_space<vmem>>
      %dma_wait3A_45 = arith.constant 0 : i32
      %dma_wait3A_46 = arith.constant 0 : i32
      %dma_wait3A_47 = tpu.memref_slice %arg2[%dma_wait3A_45, %dma_wait3A_46] : memref<10000x128xf32, #tpu.memory_space<hbm>> -> memref<10000x128xf32, #tpu.memory_space<hbm>>
      tpu.wait_indirect_dma semaphore(%arg12 : memref<!tpu.dma_semaphore, #tpu.memory_space<semaphore_mem>>) src(%dma_wait3A_47 : memref<10000x128xf32, #tpu.memory_space<hbm>>) dst(%arg9 : memref<125x128xf32, #tpu.memory_space<vmem>>)
      "tpu.region"() ({
        %run_scoped3A = tpu.sem_alloc : memref<!tpu.dma_semaphore, #tpu.memory_space<semaphore_mem>>
        %dma_start3A_60 = arith.constant 0 : i32
        %dma_start3A_61 = tpu.memref_slice %arg7[%mul3A_34, %dma_start3A_60] : memref<40x125xi32, #tpu.memory_space<vmem>> -> memref<1x125xi32, #tpu.memory_space<vmem>>
        %dma_start3A_62 = tpu.memref_squeeze %dma_start3A_61 : memref<1x125xi32, #tpu.memory_space<vmem>> -> memref<125xi32, #tpu.memory_space<vmem>>
        %dma_start3A_63 = arith.constant 0 : i32
        %dma_start3A_64 = arith.constant 0 : i32
        %dma_start3A_65 = tpu.memref_slice %arg11[%dma_start3A_63, %dma_start3A_64] : memref<10112x128xf32, #tpu.memory_space<vmem_shared>> -> memref<10112x128xf32, #tpu.memory_space<vmem_shared>>
        tpu.enqueue_indirect_dma source(%arg9 : memref<125x128xf32, #tpu.memory_space<vmem>>) target(%dma_start3A_65 : memref<10112x128xf32, #tpu.memory_space<vmem_shared>>) offsets(%dma_start3A_62 : memref<125xi32, #tpu.memory_space<vmem>>) semaphore(%run_scoped3A : memref<!tpu.dma_semaphore, #tpu.memory_space<semaphore_mem>>) {add = true}
        %dma_wait3A_66 = arith.constant 0 : i32
        %dma_wait3A_67 = tpu.memref_slice %arg7[%mul3A_34, %dma_wait3A_66] : memref<40x125xi32, #tpu.memory_space<vmem>> -> memref<1x125xi32, #tpu.memory_space<vmem>>
        %dma_wait3A_68 = tpu.memref_squeeze %dma_wait3A_67 : memref<1x125xi32, #tpu.memory_space<vmem>> -> memref<125xi32, #tpu.memory_space<vmem>>
        %dma_wait3A_69 = arith.constant 0 : i32
        %dma_wait3A_70 = arith.constant 0 : i32
        %dma_wait3A_71 = tpu.memref_slice %arg11[%dma_wait3A_69, %dma_wait3A_70] : memref<10112x128xf32, #tpu.memory_space<vmem_shared>> -> memref<10112x128xf32, #tpu.memory_space<vmem_shared>>
        tpu.wait_indirect_dma semaphore(%run_scoped3A : memref<!tpu.dma_semaphore, #tpu.memory_space<semaphore_mem>>) src(%arg9 : memref<125x128xf32, #tpu.memory_space<vmem>>) dst(%dma_wait3A_71 : memref<10112x128xf32, #tpu.memory_space<vmem_shared>>)
        tpu.yield
      }) : () -> ()
      %lt3A = arith.constant 19 : i32
      %lt3A_48 = arith.cmpi slt, %scan3A_32, %lt3A : i32
      %convert_element_type3A = arith.extui %lt3A_48 : i1 to i32
      %cond3A = arith.constant 0 : i32
      %cond3A_49 = arith.cmpi ne, %convert_element_type3A, %cond3A : i32
      scf.if %cond3A_49 {
        %add3A_60 = arith.constant 2 : i32
        %add3A_61 = arith.addi %mul3A_34, %add3A_60 : i32
        %dma_start3A_62 = arith.constant 0 : i32
        %dma_start3A_63 = tpu.memref_slice %arg8[%add3A_61, %dma_start3A_62] : memref<40x125xi32, #tpu.memory_space<vmem>> -> memref<1x125xi32, #tpu.memory_space<vmem>>
        %dma_start3A_64 = tpu.memref_squeeze %dma_start3A_63 : memref<1x125xi32, #tpu.memory_space<vmem>> -> memref<125xi32, #tpu.memory_space<vmem>>
        %dma_start3A_65 = arith.constant 0 : i32
        %dma_start3A_66 = arith.constant 0 : i32
        %dma_start3A_67 = tpu.memref_slice %arg2[%dma_start3A_65, %dma_start3A_66] : memref<10000x128xf32, #tpu.memory_space<hbm>> -> memref<10000x128xf32, #tpu.memory_space<hbm>>
        tpu.enqueue_indirect_dma source(%dma_start3A_67 : memref<10000x128xf32, #tpu.memory_space<hbm>>) target(%arg9 : memref<125x128xf32, #tpu.memory_space<vmem>>) offsets(%dma_start3A_64 : memref<125xi32, #tpu.memory_space<vmem>>) semaphore(%arg12 : memref<!tpu.dma_semaphore, #tpu.memory_space<semaphore_mem>>)
      } else {
      }
      %add3A_50 = arith.constant 1 : i32
      %add3A_51 = arith.addi %mul3A_34, %add3A_50 : i32
      %dma_wait3A_52 = arith.constant 0 : i32
      %dma_wait3A_53 = tpu.memref_slice %arg8[%add3A_51, %dma_wait3A_52] : memref<40x125xi32, #tpu.memory_space<vmem>> -> memref<1x125xi32, #tpu.memory_space<vmem>>
      %dma_wait3A_54 = tpu.memref_squeeze %dma_wait3A_53 : memref<1x125xi32, #tpu.memory_space<vmem>> -> memref<125xi32, #tpu.memory_space<vmem>>
      %dma_wait3A_55 = arith.constant 0 : i32
      %dma_wait3A_56 = arith.constant 0 : i32
      %dma_wait3A_57 = tpu.memref_slice %arg2[%dma_wait3A_55, %dma_wait3A_56] : memref<10000x128xf32, #tpu.memory_space<hbm>> -> memref<10000x128xf32, #tpu.memory_space<hbm>>
      tpu.wait_indirect_dma semaphore(%arg13 : memref<!tpu.dma_semaphore, #tpu.memory_space<semaphore_mem>>) src(%dma_wait3A_57 : memref<10000x128xf32, #tpu.memory_space<hbm>>) dst(%arg10 : memref<125x128xf32, #tpu.memory_space<vmem>>)
      %add3A_58 = arith.constant 1 : i32
      %add3A_59 = arith.addi %mul3A_34, %add3A_58 : i32
      "tpu.region"() ({
        %run_scoped3A = tpu.sem_alloc : memref<!tpu.dma_semaphore, #tpu.memory_space<semaphore_mem>>
        %dma_start3A_60 = arith.constant 0 : i32
        %dma_start3A_61 = tpu.memref_slice %arg7[%add3A_59, %dma_start3A_60] : memref<40x125xi32, #tpu.memory_space<vmem>> -> memref<1x125xi32, #tpu.memory_space<vmem>>
        %dma_start3A_62 = tpu.memref_squeeze %dma_start3A_61 : memref<1x125xi32, #tpu.memory_space<vmem>> -> memref<125xi32, #tpu.memory_space<vmem>>
        %dma_start3A_63 = arith.constant 0 : i32
        %dma_start3A_64 = arith.constant 0 : i32
        %dma_start3A_65 = tpu.memref_slice %arg11[%dma_start3A_63, %dma_start3A_64] : memref<10112x128xf32, #tpu.memory_space<vmem_shared>> -> memref<10112x128xf32, #tpu.memory_space<vmem_shared>>
        tpu.enqueue_indirect_dma source(%arg10 : memref<125x128xf32, #tpu.memory_space<vmem>>) target(%dma_start3A_65 : memref<10112x128xf32, #tpu.memory_space<vmem_shared>>) offsets(%dma_start3A_62 : memref<125xi32, #tpu.memory_space<vmem>>) semaphore(%run_scoped3A : memref<!tpu.dma_semaphore, #tpu.memory_space<semaphore_mem>>) {add = true}
        %dma_wait3A_66 = arith.constant 0 : i32
        %dma_wait3A_67 = tpu.memref_slice %arg7[%add3A_59, %dma_wait3A_66] : memref<40x125xi32, #tpu.memory_space<vmem>> -> memref<1x125xi32, #tpu.memory_space<vmem>>
        %dma_wait3A_68 = tpu.memref_squeeze %dma_wait3A_67 : memref<1x125xi32, #tpu.memory_space<vmem>> -> memref<125xi32, #tpu.memory_space<vmem>>
        %dma_wait3A_69 = arith.constant 0 : i32
        %dma_wait3A_70 = arith.constant 0 : i32
        %dma_wait3A_71 = tpu.memref_slice %arg11[%dma_wait3A_69, %dma_wait3A_70] : memref<10112x128xf32, #tpu.memory_space<vmem_shared>> -> memref<10112x128xf32, #tpu.memory_space<vmem_shared>>
        tpu.wait_indirect_dma semaphore(%run_scoped3A : memref<!tpu.dma_semaphore, #tpu.memory_space<semaphore_mem>>) src(%arg10 : memref<125x128xf32, #tpu.memory_space<vmem>>) dst(%dma_wait3A_71 : memref<10112x128xf32, #tpu.memory_space<vmem_shared>>)
        tpu.yield
      }) : () -> ()
    }
    %scan3A_13 = arith.constant 20 : i32
    "tpu.region"() ({
      %run_scoped3A = tpu.sem_alloc : memref<!tpu.dma_semaphore, #tpu.memory_space<semaphore_mem>>
      %dma_start3A_32 = arith.constant 40 : i32
      %dma_start3A_33 = arith.constant 0 : i32
      %dma_start3A_34 = tpu.memref_slice %arg3[%add3A, %dma_start3A_32, %dma_start3A_33] : memref<32x80x125xi32, #tpu.memory_space<hbm>> -> memref<1x40x125xi32, #tpu.memory_space<hbm>>
      %dma_start3A_35 = tpu.memref_squeeze %dma_start3A_34 : memref<1x40x125xi32, #tpu.memory_space<hbm>> -> memref<40x125xi32, #tpu.memory_space<hbm>>
      %dma_start3A_36 = arith.constant 40 : i32
      %dma_start3A_37 = arith.constant 0 : i32
      %dma_start3A_38 = tpu.memref_slice %arg3[%add3A, %dma_start3A_36, %dma_start3A_37] : memref<32x80x125xi32, #tpu.memory_space<hbm>> -> memref<1x40x125xi32, #tpu.memory_space<hbm>>
      %dma_start3A_39 = tpu.memref_squeeze %dma_start3A_38 : memref<1x40x125xi32, #tpu.memory_space<hbm>> -> memref<40x125xi32, #tpu.memory_space<hbm>>
      tpu.enqueue_dma source(%dma_start3A_39 : memref<40x125xi32, #tpu.memory_space<hbm>>) target(%arg7 : memref<40x125xi32, #tpu.memory_space<vmem>>) target_semaphore(%run_scoped3A : memref<!tpu.dma_semaphore, #tpu.memory_space<semaphore_mem>>)
      %dma_wait3A = arith.constant 40 : i32
      %dma_wait3A_40 = arith.constant 0 : i32
      %dma_wait3A_41 = tpu.memref_slice %arg3[%add3A, %dma_wait3A, %dma_wait3A_40] : memref<32x80x125xi32, #tpu.memory_space<hbm>> -> memref<1x40x125xi32, #tpu.memory_space<hbm>>
      %dma_wait3A_42 = tpu.memref_squeeze %dma_wait3A_41 : memref<1x40x125xi32, #tpu.memory_space<hbm>> -> memref<40x125xi32, #tpu.memory_space<hbm>>
      %dma_wait3A_43 = arith.constant 40 : i32
      %dma_wait3A_44 = arith.constant 0 : i32
      %dma_wait3A_45 = tpu.memref_slice %arg3[%add3A, %dma_wait3A_43, %dma_wait3A_44] : memref<32x80x125xi32, #tpu.memory_space<hbm>> -> memref<1x40x125xi32, #tpu.memory_space<hbm>>
      %dma_wait3A_46 = tpu.memref_squeeze %dma_wait3A_45 : memref<1x40x125xi32, #tpu.memory_space<hbm>> -> memref<40x125xi32, #tpu.memory_space<hbm>>
      tpu.wait_dma2 semaphore(%run_scoped3A : memref<!tpu.dma_semaphore, #tpu.memory_space<semaphore_mem>>) src(%dma_wait3A_46 : memref<40x125xi32, #tpu.memory_space<hbm>>) dst(%arg7 : memref<40x125xi32, #tpu.memory_space<vmem>>)
      tpu.yield
    }) : () -> ()
    "tpu.region"() ({
      %run_scoped3A = tpu.sem_alloc : memref<!tpu.dma_semaphore, #tpu.memory_space<semaphore_mem>>
      %dma_start3A_32 = arith.constant 40 : i32
      %dma_start3A_33 = arith.constant 0 : i32
      %dma_start3A_34 = tpu.memref_slice %arg4[%add3A, %dma_start3A_32, %dma_start3A_33] : memref<32x80x125xi32, #tpu.memory_space<hbm>> -> memref<1x40x125xi32, #tpu.memory_space<hbm>>
      %dma_start3A_35 = tpu.memref_squeeze %dma_start3A_34 : memref<1x40x125xi32, #tpu.memory_space<hbm>> -> memref<40x125xi32, #tpu.memory_space<hbm>>
      %dma_start3A_36 = arith.constant 40 : i32
      %dma_start3A_37 = arith.constant 0 : i32
      %dma_start3A_38 = tpu.memref_slice %arg4[%add3A, %dma_start3A_36, %dma_start3A_37] : memref<32x80x125xi32, #tpu.memory_space<hbm>> -> memref<1x40x125xi32, #tpu.memory_space<hbm>>
      %dma_start3A_39 = tpu.memref_squeeze %dma_start3A_38 : memref<1x40x125xi32, #tpu.memory_space<hbm>> -> memref<40x125xi32, #tpu.memory_space<hbm>>
      tpu.enqueue_dma source(%dma_start3A_39 : memref<40x125xi32, #tpu.memory_space<hbm>>) target(%arg8 : memref<40x125xi32, #tpu.memory_space<vmem>>) target_semaphore(%run_scoped3A : memref<!tpu.dma_semaphore, #tpu.memory_space<semaphore_mem>>)
      %dma_wait3A = arith.constant 40 : i32
      %dma_wait3A_40 = arith.constant 0 : i32
      %dma_wait3A_41 = tpu.memref_slice %arg4[%add3A, %dma_wait3A, %dma_wait3A_40] : memref<32x80x125xi32, #tpu.memory_space<hbm>> -> memref<1x40x125xi32, #tpu.memory_space<hbm>>
      %dma_wait3A_42 = tpu.memref_squeeze %dma_wait3A_41 : memref<1x40x125xi32, #tpu.memory_space<hbm>> -> memref<40x125xi32, #tpu.memory_space<hbm>>
      %dma_wait3A_43 = arith.constant 40 : i32
      %dma_wait3A_44 = arith.constant 0 : i32
      %dma_wait3A_45 = tpu.memref_slice %arg4[%add3A, %dma_wait3A_43, %dma_wait3A_44] : memref<32x80x125xi32, #tpu.memory_space<hbm>> -> memref<1x40x125xi32, #tpu.memory_space<hbm>>
      %dma_wait3A_46 = tpu.memref_squeeze %dma_wait3A_45 : memref<1x40x125xi32, #tpu.memory_space<hbm>> -> memref<40x125xi32, #tpu.memory_space<hbm>>
      tpu.wait_dma2 semaphore(%run_scoped3A : memref<!tpu.dma_semaphore, #tpu.memory_space<semaphore_mem>>) src(%dma_wait3A_46 : memref<40x125xi32, #tpu.memory_space<hbm>>) dst(%arg8 : memref<40x125xi32, #tpu.memory_space<vmem>>)
      tpu.yield
    }) : () -> ()
    %dma_start3A_14 = arith.constant 0 : i32
    %dma_start3A_15 = arith.constant 0 : i32
    %dma_start3A_16 = tpu.memref_slice %arg8[%dma_start3A_14, %dma_start3A_15] : memref<40x125xi32, #tpu.memory_space<vmem>> -> memref<1x125xi32, #tpu.memory_space<vmem>>
    %dma_start3A_17 = tpu.memref_squeeze %dma_start3A_16 : memref<1x125xi32, #tpu.memory_space<vmem>> -> memref<125xi32, #tpu.memory_space<vmem>>
    %dma_start3A_18 = arith.constant 0 : i32
    %dma_start3A_19 = arith.constant 0 : i32
    %dma_start3A_20 = tpu.memref_slice %arg2[%dma_start3A_18, %dma_start3A_19] : memref<10000x128xf32, #tpu.memory_space<hbm>> -> memref<10000x128xf32, #tpu.memory_space<hbm>>
    tpu.enqueue_indirect_dma source(%dma_start3A_20 : memref<10000x128xf32, #tpu.memory_space<hbm>>) target(%arg9 : memref<125x128xf32, #tpu.memory_space<vmem>>) offsets(%dma_start3A_17 : memref<125xi32, #tpu.memory_space<vmem>>) semaphore(%arg12 : memref<!tpu.dma_semaphore, #tpu.memory_space<semaphore_mem>>)
    %scan3A_21 = arith.constant 0 : i32
    %scan3A_22 = arith.constant 0 : i32
    %scan3A_23 = arith.constant 20 : i32
    %scan3A_24 = arith.addi %scan3A_22, %scan3A_23 : i32
    %scan3A_25 = arith.constant 1 : i32
    scf.for %scan3A_32 = %scan3A_22 to %scan3A_24 step %scan3A_25  : i32 {
      %mul3A_33 = arith.constant 2 : i32
      %mul3A_34 = arith.muli %mul3A_33, %scan3A_32 : i32
      %add3A_35 = arith.constant 1 : i32
      %add3A_36 = arith.addi %mul3A_34, %add3A_35 : i32
      %dma_start3A_37 = arith.constant 0 : i32
      %dma_start3A_38 = tpu.memref_slice %arg8[%add3A_36, %dma_start3A_37] : memref<40x125xi32, #tpu.memory_space<vmem>> -> memref<1x125xi32, #tpu.memory_space<vmem>>
      %dma_start3A_39 = tpu.memref_squeeze %dma_start3A_38 : memref<1x125xi32, #tpu.memory_space<vmem>> -> memref<125xi32, #tpu.memory_space<vmem>>
      %dma_start3A_40 = arith.constant 0 : i32
      %dma_start3A_41 = arith.constant 0 : i32
      %dma_start3A_42 = tpu.memref_slice %arg2[%dma_start3A_40, %dma_start3A_41] : memref<10000x128xf32, #tpu.memory_space<hbm>> -> memref<10000x128xf32, #tpu.memory_space<hbm>>
      tpu.enqueue_indirect_dma source(%dma_start3A_42 : memref<10000x128xf32, #tpu.memory_space<hbm>>) target(%arg10 : memref<125x128xf32, #tpu.memory_space<vmem>>) offsets(%dma_start3A_39 : memref<125xi32, #tpu.memory_space<vmem>>) semaphore(%arg13 : memref<!tpu.dma_semaphore, #tpu.memory_space<semaphore_mem>>)
      %dma_wait3A = arith.constant 0 : i32
      %dma_wait3A_43 = tpu.memref_slice %arg8[%mul3A_34, %dma_wait3A] : memref<40x125xi32, #tpu.memory_space<vmem>> -> memref<1x125xi32, #tpu.memory_space<vmem>>
      %dma_wait3A_44 = tpu.memref_squeeze %dma_wait3A_43 : memref<1x125xi32, #tpu.memory_space<vmem>> -> memref<125xi32, #tpu.memory_space<vmem>>
      %dma_wait3A_45 = arith.constant 0 : i32
      %dma_wait3A_46 = arith.constant 0 : i32
      %dma_wait3A_47 = tpu.memref_slice %arg2[%dma_wait3A_45, %dma_wait3A_46] : memref<10000x128xf32, #tpu.memory_space<hbm>> -> memref<10000x128xf32, #tpu.memory_space<hbm>>
      tpu.wait_indirect_dma semaphore(%arg12 : memref<!tpu.dma_semaphore, #tpu.memory_space<semaphore_mem>>) src(%dma_wait3A_47 : memref<10000x128xf32, #tpu.memory_space<hbm>>) dst(%arg9 : memref<125x128xf32, #tpu.memory_space<vmem>>)
      "tpu.region"() ({
        %run_scoped3A = tpu.sem_alloc : memref<!tpu.dma_semaphore, #tpu.memory_space<semaphore_mem>>
        %dma_start3A_60 = arith.constant 0 : i32
        %dma_start3A_61 = tpu.memref_slice %arg7[%mul3A_34, %dma_start3A_60] : memref<40x125xi32, #tpu.memory_space<vmem>> -> memref<1x125xi32, #tpu.memory_space<vmem>>
        %dma_start3A_62 = tpu.memref_squeeze %dma_start3A_61 : memref<1x125xi32, #tpu.memory_space<vmem>> -> memref<125xi32, #tpu.memory_space<vmem>>
        %dma_start3A_63 = arith.constant 0 : i32
        %dma_start3A_64 = arith.constant 0 : i32
        %dma_start3A_65 = tpu.memref_slice %arg11[%dma_start3A_63, %dma_start3A_64] : memref<10112x128xf32, #tpu.memory_space<vmem_shared>> -> memref<10112x128xf32, #tpu.memory_space<vmem_shared>>
        tpu.enqueue_indirect_dma source(%arg9 : memref<125x128xf32, #tpu.memory_space<vmem>>) target(%dma_start3A_65 : memref<10112x128xf32, #tpu.memory_space<vmem_shared>>) offsets(%dma_start3A_62 : memref<125xi32, #tpu.memory_space<vmem>>) semaphore(%run_scoped3A : memref<!tpu.dma_semaphore, #tpu.memory_space<semaphore_mem>>) {add = true}
        %dma_wait3A_66 = arith.constant 0 : i32
        %dma_wait3A_67 = tpu.memref_slice %arg7[%mul3A_34, %dma_wait3A_66] : memref<40x125xi32, #tpu.memory_space<vmem>> -> memref<1x125xi32, #tpu.memory_space<vmem>>
        %dma_wait3A_68 = tpu.memref_squeeze %dma_wait3A_67 : memref<1x125xi32, #tpu.memory_space<vmem>> -> memref<125xi32, #tpu.memory_space<vmem>>
        %dma_wait3A_69 = arith.constant 0 : i32
        %dma_wait3A_70 = arith.constant 0 : i32
        %dma_wait3A_71 = tpu.memref_slice %arg11[%dma_wait3A_69, %dma_wait3A_70] : memref<10112x128xf32, #tpu.memory_space<vmem_shared>> -> memref<10112x128xf32, #tpu.memory_space<vmem_shared>>
        tpu.wait_indirect_dma semaphore(%run_scoped3A : memref<!tpu.dma_semaphore, #tpu.memory_space<semaphore_mem>>) src(%arg9 : memref<125x128xf32, #tpu.memory_space<vmem>>) dst(%dma_wait3A_71 : memref<10112x128xf32, #tpu.memory_space<vmem_shared>>)
        tpu.yield
      }) : () -> ()
      %lt3A = arith.constant 19 : i32
      %lt3A_48 = arith.cmpi slt, %scan3A_32, %lt3A : i32
      %convert_element_type3A = arith.extui %lt3A_48 : i1 to i32
      %cond3A = arith.constant 0 : i32
      %cond3A_49 = arith.cmpi ne, %convert_element_type3A, %cond3A : i32
      scf.if %cond3A_49 {
        %add3A_60 = arith.constant 2 : i32
        %add3A_61 = arith.addi %mul3A_34, %add3A_60 : i32
        %dma_start3A_62 = arith.constant 0 : i32
        %dma_start3A_63 = tpu.memref_slice %arg8[%add3A_61, %dma_start3A_62] : memref<40x125xi32, #tpu.memory_space<vmem>> -> memref<1x125xi32, #tpu.memory_space<vmem>>
        %dma_start3A_64 = tpu.memref_squeeze %dma_start3A_63 : memref<1x125xi32, #tpu.memory_space<vmem>> -> memref<125xi32, #tpu.memory_space<vmem>>
        %dma_start3A_65 = arith.constant 0 : i32
        %dma_start3A_66 = arith.constant 0 : i32
        %dma_start3A_67 = tpu.memref_slice %arg2[%dma_start3A_65, %dma_start3A_66] : memref<10000x128xf32, #tpu.memory_space<hbm>> -> memref<10000x128xf32, #tpu.memory_space<hbm>>
        tpu.enqueue_indirect_dma source(%dma_start3A_67 : memref<10000x128xf32, #tpu.memory_space<hbm>>) target(%arg9 : memref<125x128xf32, #tpu.memory_space<vmem>>) offsets(%dma_start3A_64 : memref<125xi32, #tpu.memory_space<vmem>>) semaphore(%arg12 : memref<!tpu.dma_semaphore, #tpu.memory_space<semaphore_mem>>)
      } else {
      }
      %add3A_50 = arith.constant 1 : i32
      %add3A_51 = arith.addi %mul3A_34, %add3A_50 : i32
      %dma_wait3A_52 = arith.constant 0 : i32
      %dma_wait3A_53 = tpu.memref_slice %arg8[%add3A_51, %dma_wait3A_52] : memref<40x125xi32, #tpu.memory_space<vmem>> -> memref<1x125xi32, #tpu.memory_space<vmem>>
      %dma_wait3A_54 = tpu.memref_squeeze %dma_wait3A_53 : memref<1x125xi32, #tpu.memory_space<vmem>> -> memref<125xi32, #tpu.memory_space<vmem>>
      %dma_wait3A_55 = arith.constant 0 : i32
      %dma_wait3A_56 = arith.constant 0 : i32
      %dma_wait3A_57 = tpu.memref_slice %arg2[%dma_wait3A_55, %dma_wait3A_56] : memref<10000x128xf32, #tpu.memory_space<hbm>> -> memref<10000x128xf32, #tpu.memory_space<hbm>>
      tpu.wait_indirect_dma semaphore(%arg13 : memref<!tpu.dma_semaphore, #tpu.memory_space<semaphore_mem>>) src(%dma_wait3A_57 : memref<10000x128xf32, #tpu.memory_space<hbm>>) dst(%arg10 : memref<125x128xf32, #tpu.memory_space<vmem>>)
      %add3A_58 = arith.constant 1 : i32
      %add3A_59 = arith.addi %mul3A_34, %add3A_58 : i32
      "tpu.region"() ({
        %run_scoped3A = tpu.sem_alloc : memref<!tpu.dma_semaphore, #tpu.memory_space<semaphore_mem>>
        %dma_start3A_60 = arith.constant 0 : i32
        %dma_start3A_61 = tpu.memref_slice %arg7[%add3A_59, %dma_start3A_60] : memref<40x125xi32, #tpu.memory_space<vmem>> -> memref<1x125xi32, #tpu.memory_space<vmem>>
        %dma_start3A_62 = tpu.memref_squeeze %dma_start3A_61 : memref<1x125xi32, #tpu.memory_space<vmem>> -> memref<125xi32, #tpu.memory_space<vmem>>
        %dma_start3A_63 = arith.constant 0 : i32
        %dma_start3A_64 = arith.constant 0 : i32
        %dma_start3A_65 = tpu.memref_slice %arg11[%dma_start3A_63, %dma_start3A_64] : memref<10112x128xf32, #tpu.memory_space<vmem_shared>> -> memref<10112x128xf32, #tpu.memory_space<vmem_shared>>
        tpu.enqueue_indirect_dma source(%arg10 : memref<125x128xf32, #tpu.memory_space<vmem>>) target(%dma_start3A_65 : memref<10112x128xf32, #tpu.memory_space<vmem_shared>>) offsets(%dma_start3A_62 : memref<125xi32, #tpu.memory_space<vmem>>) semaphore(%run_scoped3A : memref<!tpu.dma_semaphore, #tpu.memory_space<semaphore_mem>>) {add = true}
        %dma_wait3A_66 = arith.constant 0 : i32
        %dma_wait3A_67 = tpu.memref_slice %arg7[%add3A_59, %dma_wait3A_66] : memref<40x125xi32, #tpu.memory_space<vmem>> -> memref<1x125xi32, #tpu.memory_space<vmem>>
        %dma_wait3A_68 = tpu.memref_squeeze %dma_wait3A_67 : memref<1x125xi32, #tpu.memory_space<vmem>> -> memref<125xi32, #tpu.memory_space<vmem>>
        %dma_wait3A_69 = arith.constant 0 : i32
        %dma_wait3A_70 = arith.constant 0 : i32
        %dma_wait3A_71 = tpu.memref_slice %arg11[%dma_wait3A_69, %dma_wait3A_70] : memref<10112x128xf32, #tpu.memory_space<vmem_shared>> -> memref<10112x128xf32, #tpu.memory_space<vmem_shared>>
        tpu.wait_indirect_dma semaphore(%run_scoped3A : memref<!tpu.dma_semaphore, #tpu.memory_space<semaphore_mem>>) src(%arg10 : memref<125x128xf32, #tpu.memory_space<vmem>>) dst(%dma_wait3A_71 : memref<10112x128xf32, #tpu.memory_space<vmem_shared>>)
        tpu.yield
      }) : () -> ()
    }
    %scan3A_26 = arith.constant 20 : i32
    %barrier3A_27 = arith.constant 0 : index
    tpu.barrier barrier_id(%barrier3A_27)
    %mul3A_28 = arith.constant 632 : i32
    %mul3A_29 = arith.muli %arg1, %mul3A_28 : i32
    %mul3A_30 = arith.constant 632 : i32
    %mul3A_31 = arith.muli %arg1, %mul3A_30 : i32
    "tpu.region"() ({
      %run_scoped3A = tpu.sem_alloc : memref<!tpu.dma_semaphore, #tpu.memory_space<semaphore_mem>>
      %dma_start3A_32 = arith.constant 0 : i32
      %dma_start3A_33 = tpu.memref_slice %arg6[%arg0, %mul3A_31, %dma_start3A_32] : memref<2x10112x128xf32, #tpu.memory_space<hbm>> -> memref<1x632x128xf32, #tpu.memory_space<hbm>>
      %dma_start3A_34 = tpu.memref_squeeze %dma_start3A_33 : memref<1x632x128xf32, #tpu.memory_space<hbm>> -> memref<632x128xf32, #tpu.memory_space<hbm>>
      %dma_start3A_35 = arith.constant 0 : i32
      %dma_start3A_36 = tpu.memref_slice %arg11[%mul3A_29, %dma_start3A_35] : memref<10112x128xf32, #tpu.memory_space<vmem_shared>> -> memref<632x128xf32, #tpu.memory_space<vmem_shared>>
      tpu.enqueue_dma source(%dma_start3A_36 : memref<632x128xf32, #tpu.memory_space<vmem_shared>>) target(%dma_start3A_34 : memref<632x128xf32, #tpu.memory_space<hbm>>) target_semaphore(%run_scoped3A : memref<!tpu.dma_semaphore, #tpu.memory_space<semaphore_mem>>)
      %dma_wait3A = arith.constant 0 : i32
      %dma_wait3A_37 = tpu.memref_slice %arg6[%arg0, %mul3A_31, %dma_wait3A] : memref<2x10112x128xf32, #tpu.memory_space<hbm>> -> memref<1x632x128xf32, #tpu.memory_space<hbm>>
      %dma_wait3A_38 = tpu.memref_squeeze %dma_wait3A_37 : memref<1x632x128xf32, #tpu.memory_space<hbm>> -> memref<632x128xf32, #tpu.memory_space<hbm>>
      %dma_wait3A_39 = arith.constant 0 : i32
      %dma_wait3A_40 = tpu.memref_slice %arg11[%mul3A_29, %dma_wait3A_39] : memref<10112x128xf32, #tpu.memory_space<vmem_shared>> -> memref<632x128xf32, #tpu.memory_space<vmem_shared>>
      tpu.wait_dma2 semaphore(%run_scoped3A : memref<!tpu.dma_semaphore, #tpu.memory_space<semaphore_mem>>) src(%dma_wait3A_40 : memref<632x128xf32, #tpu.memory_space<vmem_shared>>) dst(%dma_wait3A_38 : memref<632x128xf32, #tpu.memory_space<hbm>>)
      tpu.yield
    }) : () -> ()
    return
  }
}

#map = affine_map<(d0, d1) -> (0, 0)>
#map1 = affine_map<(d0, d1) -> (0, 0, 0)>
module attributes {stable_mosaic.version = 14 : i64} {
  func.func @k(%arg0: i32, %arg1: i32, %arg2: memref<10000x128xf32, #tpu.memory_space<hbm>>, %arg3: memref<32x80x125xi32, #tpu.memory_space<hbm>>, %arg4: memref<32x80x125xi32, #tpu.memory_space<hbm>>, %arg5: memref<632x128xf32, #tpu.memory_space<hbm>>, %arg6: memref<2x10112x128xf32, #tpu.memory_space<hbm>>, %arg7: memref<40x125xi32, #tpu.memory_space<vmem>>, %arg8: memref<40x125xi32, #tpu.memory_space<vmem>>, %arg9: memref<125x128xf32, #tpu.memory_space<vmem>>, %arg10: memref<125x128xf32, #tpu.memory_space<vmem>>, %arg11: memref<10112x128xf32, #tpu.memory_space<vmem_shared>>, %arg12: memref<!tpu.dma_semaphore, #tpu.memory_space<semaphore_mem>>, %arg13: memref<!tpu.dma_semaphore, #tpu.memory_space<semaphore_mem>>) attributes {dimension_semantics = [#tpu.dimension_semantics<core_parallel>, #tpu.dimension_semantics<subcore_parallel>], iteration_bounds = array<i64: 2, 16>, scalar_prefetch = 0 : i64, scratch_operands = 7 : i64, tpu.core_type = #tpu.core_type<sc_vector_subcore>, window_params = [{transform_indices = #map}, {transform_indices = #map1}, {transform_indices = #map1}, {transform_indices = #map}, {transform_indices = #map1}]} {
    %mul3A = arith.constant 2 : i32
    %mul3A_0 = arith.muli %arg1, %mul3A : i32
    %add3A = arith.addi %mul3A_0, %arg0 : i32
    "tpu.region"() ({
      %run_scoped3A = tpu.sem_alloc : memref<!tpu.dma_semaphore, #tpu.memory_space<semaphore_mem>>
      %dma_start3A_32 = arith.constant 0 : i32
      %dma_start3A_33 = arith.constant 0 : i32
      %dma_start3A_34 = tpu.memref_slice %arg3[%add3A, %dma_start3A_32, %dma_start3A_33] : memref<32x80x125xi32, #tpu.memory_space<hbm>> -> memref<1x40x125xi32, #tpu.memory_space<hbm>>
      %dma_start3A_35 = tpu.memref_squeeze %dma_start3A_34 : memref<1x40x125xi32, #tpu.memory_space<hbm>> -> memref<40x125xi32, #tpu.memory_space<hbm>>
      %dma_start3A_36 = arith.constant 0 : i32
      %dma_start3A_37 = arith.constant 0 : i32
      %dma_start3A_38 = tpu.memref_slice %arg3[%add3A, %dma_start3A_36, %dma_start3A_37] : memref<32x80x125xi32, #tpu.memory_space<hbm>> -> memref<1x40x125xi32, #tpu.memory_space<hbm>>
      %dma_start3A_39 = tpu.memref_squeeze %dma_start3A_38 : memref<1x40x125xi32, #tpu.memory_space<hbm>> -> memref<40x125xi32, #tpu.memory_space<hbm>>
      tpu.enqueue_dma source(%dma_start3A_39 : memref<40x125xi32, #tpu.memory_space<hbm>>) target(%arg7 : memref<40x125xi32, #tpu.memory_space<vmem>>) target_semaphore(%run_scoped3A : memref<!tpu.dma_semaphore, #tpu.memory_space<semaphore_mem>>)
      %dma_wait3A = arith.constant 0 : i32
      %dma_wait3A_40 = arith.constant 0 : i32
      %dma_wait3A_41 = tpu.memref_slice %arg3[%add3A, %dma_wait3A, %dma_wait3A_40] : memref<32x80x125xi32, #tpu.memory_space<hbm>> -> memref<1x40x125xi32, #tpu.memory_space<hbm>>
      %dma_wait3A_42 = tpu.memref_squeeze %dma_wait3A_41 : memref<1x40x125xi32, #tpu.memory_space<hbm>> -> memref<40x125xi32, #tpu.memory_space<hbm>>
      %dma_wait3A_43 = arith.constant 0 : i32
      %dma_wait3A_44 = arith.constant 0 : i32
      %dma_wait3A_45 = tpu.memref_slice %arg3[%add3A, %dma_wait3A_43, %dma_wait3A_44] : memref<32x80x125xi32, #tpu.memory_space<hbm>> -> memref<1x40x125xi32, #tpu.memory_space<hbm>>
      %dma_wait3A_46 = tpu.memref_squeeze %dma_wait3A_45 : memref<1x40x125xi32, #tpu.memory_space<hbm>> -> memref<40x125xi32, #tpu.memory_space<hbm>>
      tpu.wait_dma2 semaphore(%run_scoped3A : memref<!tpu.dma_semaphore, #tpu.memory_space<semaphore_mem>>) src(%dma_wait3A_46 : memref<40x125xi32, #tpu.memory_space<hbm>>) dst(%arg7 : memref<40x125xi32, #tpu.memory_space<vmem>>)
      tpu.yield
    }) : () -> ()
    "tpu.region"() ({
      %run_scoped3A = tpu.sem_alloc : memref<!tpu.dma_semaphore, #tpu.memory_space<semaphore_mem>>
      %dma_start3A_32 = arith.constant 0 : i32
      %dma_start3A_33 = arith.constant 0 : i32
      %dma_start3A_34 = tpu.memref_slice %arg4[%add3A, %dma_start3A_32, %dma_start3A_33] : memref<32x80x125xi32, #tpu.memory_space<hbm>> -> memref<1x40x125xi32, #tpu.memory_space<hbm>>
      %dma_start3A_35 = tpu.memref_squeeze %dma_start3A_34 : memref<1x40x125xi32, #tpu.memory_space<hbm>> -> memref<40x125xi32, #tpu.memory_space<hbm>>
      %dma_start3A_36 = arith.constant 0 : i32
      %dma_start3A_37 = arith.constant 0 : i32
      %dma_start3A_38 = tpu.memref_slice %arg4[%add3A, %dma_start3A_36, %dma_start3A_37] : memref<32x80x125xi32, #tpu.memory_space<hbm>> -> memref<1x40x125xi32, #tpu.memory_space<hbm>>
      %dma_start3A_39 = tpu.memref_squeeze %dma_start3A_38 : memref<1x40x125xi32, #tpu.memory_space<hbm>> -> memref<40x125xi32, #tpu.memory_space<hbm>>
      tpu.enqueue_dma source(%dma_start3A_39 : memref<40x125xi32, #tpu.memory_space<hbm>>) target(%arg8 : memref<40x125xi32, #tpu.memory_space<vmem>>) target_semaphore(%run_scoped3A : memref<!tpu.dma_semaphore, #tpu.memory_space<semaphore_mem>>)
      %dma_wait3A = arith.constant 0 : i32
      %dma_wait3A_40 = arith.constant 0 : i32
      %dma_wait3A_41 = tpu.memref_slice %arg4[%add3A, %dma_wait3A, %dma_wait3A_40] : memref<32x80x125xi32, #tpu.memory_space<hbm>> -> memref<1x40x125xi32, #tpu.memory_space<hbm>>
      %dma_wait3A_42 = tpu.memref_squeeze %dma_wait3A_41 : memref<1x40x125xi32, #tpu.memory_space<hbm>> -> memref<40x125xi32, #tpu.memory_space<hbm>>
      %dma_wait3A_43 = arith.constant 0 : i32
      %dma_wait3A_44 = arith.constant 0 : i32
      %dma_wait3A_45 = tpu.memref_slice %arg4[%add3A, %dma_wait3A_43, %dma_wait3A_44] : memref<32x80x125xi32, #tpu.memory_space<hbm>> -> memref<1x40x125xi32, #tpu.memory_space<hbm>>
      %dma_wait3A_46 = tpu.memref_squeeze %dma_wait3A_45 : memref<1x40x125xi32, #tpu.memory_space<hbm>> -> memref<40x125xi32, #tpu.memory_space<hbm>>
      tpu.wait_dma2 semaphore(%run_scoped3A : memref<!tpu.dma_semaphore, #tpu.memory_space<semaphore_mem>>) src(%dma_wait3A_46 : memref<40x125xi32, #tpu.memory_space<hbm>>) dst(%arg8 : memref<40x125xi32, #tpu.memory_space<vmem>>)
      tpu.yield
    }) : () -> ()
    %dma_start3A = arith.constant 0 : i32
    %dma_start3A_1 = arith.constant 0 : i32
    %dma_start3A_2 = tpu.memref_slice %arg8[%dma_start3A, %dma_start3A_1] : memref<40x125xi32, #tpu.memory_space<vmem>> -> memref<1x125xi32, #tpu.memory_space<vmem>>
    %dma_start3A_3 = tpu.memref_squeeze %dma_start3A_2 : memref<1x125xi32, #tpu.memory_space<vmem>> -> memref<125xi32, #tpu.memory_space<vmem>>
    %dma_start3A_4 = arith.constant 0 : i32
    %dma_start3A_5 = arith.constant 0 : i32
    %dma_start3A_6 = tpu.memref_slice %arg2[%dma_start3A_4, %dma_start3A_5] : memref<10000x128xf32, #tpu.memory_space<hbm>> -> memref<10000x128xf32, #tpu.memory_space<hbm>>
    tpu.enqueue_indirect_dma source(%dma_start3A_6 : memref<10000x128xf32, #tpu.memory_space<hbm>>) target(%arg9 : memref<125x128xf32, #tpu.memory_space<vmem>>) offsets(%dma_start3A_3 : memref<125xi32, #tpu.memory_space<vmem>>) semaphore(%arg12 : memref<!tpu.dma_semaphore, #tpu.memory_space<semaphore_mem>>)
    %mul3A_7 = arith.constant 632 : i32
    %mul3A_8 = arith.muli %arg1, %mul3A_7 : i32
    "tpu.region"() ({
      %run_scoped3A = tpu.sem_alloc : memref<!tpu.dma_semaphore, #tpu.memory_space<semaphore_mem>>
      %dma_start3A_32 = arith.constant 0 : i32
      %dma_start3A_33 = tpu.memref_slice %arg11[%mul3A_8, %dma_start3A_32] : memref<10112x128xf32, #tpu.memory_space<vmem_shared>> -> memref<632x128xf32, #tpu.memory_space<vmem_shared>>
      tpu.enqueue_dma source(%arg5 : memref<632x128xf32, #tpu.memory_space<hbm>>) target(%dma_start3A_33 : memref<632x128xf32, #tpu.memory_space<vmem_shared>>) target_semaphore(%run_scoped3A : memref<!tpu.dma_semaphore, #tpu.memory_space<semaphore_mem>>)
      %dma_wait3A = arith.constant 0 : i32
      %dma_wait3A_34 = tpu.memref_slice %arg11[%mul3A_8, %dma_wait3A] : memref<10112x128xf32, #tpu.memory_space<vmem_shared>> -> memref<632x128xf32, #tpu.memory_space<vmem_shared>>
      tpu.wait_dma2 semaphore(%run_scoped3A : memref<!tpu.dma_semaphore, #tpu.memory_space<semaphore_mem>>) src(%arg5 : memref<632x128xf32, #tpu.memory_space<hbm>>) dst(%dma_wait3A_34 : memref<632x128xf32, #tpu.memory_space<vmem_shared>>)
      tpu.yield
    }) : () -> ()
    %barrier3A = arith.constant 0 : index
    tpu.barrier barrier_id(%barrier3A)
    %scan3A = arith.constant 0 : i32
    %scan3A_9 = arith.constant 0 : i32
    %scan3A_10 = arith.constant 20 : i32
    %scan3A_11 = arith.addi %scan3A_9, %scan3A_10 : i32
    %scan3A_12 = arith.constant 1 : i32
    scf.for %scan3A_32 = %scan3A_9 to %scan3A_11 step %scan3A_12  : i32 {
      %mul3A_33 = arith.constant 2 : i32
      %mul3A_34 = arith.muli %mul3A_33, %scan3A_32 : i32
      %add3A_35 = arith.constant 1 : i32
      %add3A_36 = arith.addi %mul3A_34, %add3A_35 : i32
      %dma_start3A_37 = arith.constant 0 : i32
      %dma_start3A_38 = tpu.memref_slice %arg8[%add3A_36, %dma_start3A_37] : memref<40x125xi32, #tpu.memory_space<vmem>> -> memref<1x125xi32, #tpu.memory_space<vmem>>
      %dma_start3A_39 = tpu.memref_squeeze %dma_start3A_38 : memref<1x125xi32, #tpu.memory_space<vmem>> -> memref<125xi32, #tpu.memory_space<vmem>>
      %dma_start3A_40 = arith.constant 0 : i32
      %dma_start3A_41 = arith.constant 0 : i32
      %dma_start3A_42 = tpu.memref_slice %arg2[%dma_start3A_40, %dma_start3A_41] : memref<10000x128xf32, #tpu.memory_space<hbm>> -> memref<10000x128xf32, #tpu.memory_space<hbm>>
      tpu.enqueue_indirect_dma source(%dma_start3A_42 : memref<10000x128xf32, #tpu.memory_space<hbm>>) target(%arg10 : memref<125x128xf32, #tpu.memory_space<vmem>>) offsets(%dma_start3A_39 : memref<125xi32, #tpu.memory_space<vmem>>) semaphore(%arg13 : memref<!tpu.dma_semaphore, #tpu.memory_space<semaphore_mem>>)
      %dma_wait3A = arith.constant 0 : i32
      %dma_wait3A_43 = tpu.memref_slice %arg8[%mul3A_34, %dma_wait3A] : memref<40x125xi32, #tpu.memory_space<vmem>> -> memref<1x125xi32, #tpu.memory_space<vmem>>
      %dma_wait3A_44 = tpu.memref_squeeze %dma_wait3A_43 : memref<1x125xi32, #tpu.memory_space<vmem>> -> memref<125xi32, #tpu.memory_space<vmem>>
      %dma_wait3A_45 = arith.constant 0 : i32
      %dma_wait3A_46 = arith.constant 0 : i32
      %dma_wait3A_47 = tpu.memref_slice %arg2[%dma_wait3A_45, %dma_wait3A_46] : memref<10000x128xf32, #tpu.memory_space<hbm>> -> memref<10000x128xf32, #tpu.memory_space<hbm>>
      tpu.wait_indirect_dma semaphore(%arg12 : memref<!tpu.dma_semaphore, #tpu.memory_space<semaphore_mem>>) src(%dma_wait3A_47 : memref<10000x128xf32, #tpu.memory_space<hbm>>) dst(%arg9 : memref<125x128xf32, #tpu.memory_space<vmem>>)
      "tpu.region"() ({
        %run_scoped3A = tpu.sem_alloc : memref<!tpu.dma_semaphore, #tpu.memory_space<semaphore_mem>>
        %dma_start3A_60 = arith.constant 0 : i32
        %dma_start3A_61 = tpu.memref_slice %arg7[%mul3A_34, %dma_start3A_60] : memref<40x125xi32, #tpu.memory_space<vmem>> -> memref<1x125xi32, #tpu.memory_space<vmem>>
        %dma_start3A_62 = tpu.memref_squeeze %dma_start3A_61 : memref<1x125xi32, #tpu.memory_space<vmem>> -> memref<125xi32, #tpu.memory_space<vmem>>
        %dma_start3A_63 = arith.constant 0 : i32
        %dma_start3A_64 = arith.constant 0 : i32
        %dma_start3A_65 = tpu.memref_slice %arg11[%dma_start3A_63, %dma_start3A_64] : memref<10112x128xf32, #tpu.memory_space<vmem_shared>> -> memref<10112x128xf32, #tpu.memory_space<vmem_shared>>
        tpu.enqueue_indirect_dma source(%arg9 : memref<125x128xf32, #tpu.memory_space<vmem>>) target(%dma_start3A_65 : memref<10112x128xf32, #tpu.memory_space<vmem_shared>>) offsets(%dma_start3A_62 : memref<125xi32, #tpu.memory_space<vmem>>) semaphore(%run_scoped3A : memref<!tpu.dma_semaphore, #tpu.memory_space<semaphore_mem>>) {add = true}
        %dma_wait3A_66 = arith.constant 0 : i32
        %dma_wait3A_67 = tpu.memref_slice %arg7[%mul3A_34, %dma_wait3A_66] : memref<40x125xi32, #tpu.memory_space<vmem>> -> memref<1x125xi32, #tpu.memory_space<vmem>>
        %dma_wait3A_68 = tpu.memref_squeeze %dma_wait3A_67 : memref<1x125xi32, #tpu.memory_space<vmem>> -> memref<125xi32, #tpu.memory_space<vmem>>
        %dma_wait3A_69 = arith.constant 0 : i32
        %dma_wait3A_70 = arith.constant 0 : i32
        %dma_wait3A_71 = tpu.memref_slice %arg11[%dma_wait3A_69, %dma_wait3A_70] : memref<10112x128xf32, #tpu.memory_space<vmem_shared>> -> memref<10112x128xf32, #tpu.memory_space<vmem_shared>>
        tpu.wait_indirect_dma semaphore(%run_scoped3A : memref<!tpu.dma_semaphore, #tpu.memory_space<semaphore_mem>>) src(%arg9 : memref<125x128xf32, #tpu.memory_space<vmem>>) dst(%dma_wait3A_71 : memref<10112x128xf32, #tpu.memory_space<vmem_shared>>)
        tpu.yield
      }) : () -> ()
      %lt3A = arith.constant 19 : i32
      %lt3A_48 = arith.cmpi slt, %scan3A_32, %lt3A : i32
      %convert_element_type3A = arith.extui %lt3A_48 : i1 to i32
      %cond3A = arith.constant 0 : i32
      %cond3A_49 = arith.cmpi ne, %convert_element_type3A, %cond3A : i32
      scf.if %cond3A_49 {
        %add3A_60 = arith.constant 2 : i32
        %add3A_61 = arith.addi %mul3A_34, %add3A_60 : i32
        %dma_start3A_62 = arith.constant 0 : i32
        %dma_start3A_63 = tpu.memref_slice %arg8[%add3A_61, %dma_start3A_62] : memref<40x125xi32, #tpu.memory_space<vmem>> -> memref<1x125xi32, #tpu.memory_space<vmem>>
        %dma_start3A_64 = tpu.memref_squeeze %dma_start3A_63 : memref<1x125xi32, #tpu.memory_space<vmem>> -> memref<125xi32, #tpu.memory_space<vmem>>
        %dma_start3A_65 = arith.constant 0 : i32
        %dma_start3A_66 = arith.constant 0 : i32
        %dma_start3A_67 = tpu.memref_slice %arg2[%dma_start3A_65, %dma_start3A_66] : memref<10000x128xf32, #tpu.memory_space<hbm>> -> memref<10000x128xf32, #tpu.memory_space<hbm>>
        tpu.enqueue_indirect_dma source(%dma_start3A_67 : memref<10000x128xf32, #tpu.memory_space<hbm>>) target(%arg9 : memref<125x128xf32, #tpu.memory_space<vmem>>) offsets(%dma_start3A_64 : memref<125xi32, #tpu.memory_space<vmem>>) semaphore(%arg12 : memref<!tpu.dma_semaphore, #tpu.memory_space<semaphore_mem>>)
      } else {
      }
      %add3A_50 = arith.constant 1 : i32
      %add3A_51 = arith.addi %mul3A_34, %add3A_50 : i32
      %dma_wait3A_52 = arith.constant 0 : i32
      %dma_wait3A_53 = tpu.memref_slice %arg8[%add3A_51, %dma_wait3A_52] : memref<40x125xi32, #tpu.memory_space<vmem>> -> memref<1x125xi32, #tpu.memory_space<vmem>>
      %dma_wait3A_54 = tpu.memref_squeeze %dma_wait3A_53 : memref<1x125xi32, #tpu.memory_space<vmem>> -> memref<125xi32, #tpu.memory_space<vmem>>
      %dma_wait3A_55 = arith.constant 0 : i32
      %dma_wait3A_56 = arith.constant 0 : i32
      %dma_wait3A_57 = tpu.memref_slice %arg2[%dma_wait3A_55, %dma_wait3A_56] : memref<10000x128xf32, #tpu.memory_space<hbm>> -> memref<10000x128xf32, #tpu.memory_space<hbm>>
      tpu.wait_indirect_dma semaphore(%arg13 : memref<!tpu.dma_semaphore, #tpu.memory_space<semaphore_mem>>) src(%dma_wait3A_57 : memref<10000x128xf32, #tpu.memory_space<hbm>>) dst(%arg10 : memref<125x128xf32, #tpu.memory_space<vmem>>)
      %add3A_58 = arith.constant 1 : i32
      %add3A_59 = arith.addi %mul3A_34, %add3A_58 : i32
      "tpu.region"() ({
        %run_scoped3A = tpu.sem_alloc : memref<!tpu.dma_semaphore, #tpu.memory_space<semaphore_mem>>
        %dma_start3A_60 = arith.constant 0 : i32
        %dma_start3A_61 = tpu.memref_slice %arg7[%add3A_59, %dma_start3A_60] : memref<40x125xi32, #tpu.memory_space<vmem>> -> memref<1x125xi32, #tpu.memory_space<vmem>>
        %dma_start3A_62 = tpu.memref_squeeze %dma_start3A_61 : memref<1x125xi32, #tpu.memory_space<vmem>> -> memref<125xi32, #tpu.memory_space<vmem>>
        %dma_start3A_63 = arith.constant 0 : i32
        %dma_start3A_64 = arith.constant 0 : i32
        %dma_start3A_65 = tpu.memref_slice %arg11[%dma_start3A_63, %dma_start3A_64] : memref<10112x128xf32, #tpu.memory_space<vmem_shared>> -> memref<10112x128xf32, #tpu.memory_space<vmem_shared>>
        tpu.enqueue_indirect_dma source(%arg10 : memref<125x128xf32, #tpu.memory_space<vmem>>) target(%dma_start3A_65 : memref<10112x128xf32, #tpu.memory_space<vmem_shared>>) offsets(%dma_start3A_62 : memref<125xi32, #tpu.memory_space<vmem>>) semaphore(%run_scoped3A : memref<!tpu.dma_semaphore, #tpu.memory_space<semaphore_mem>>) {add = true}
        %dma_wait3A_66 = arith.constant 0 : i32
        %dma_wait3A_67 = tpu.memref_slice %arg7[%add3A_59, %dma_wait3A_66] : memref<40x125xi32, #tpu.memory_space<vmem>> -> memref<1x125xi32, #tpu.memory_space<vmem>>
        %dma_wait3A_68 = tpu.memref_squeeze %dma_wait3A_67 : memref<1x125xi32, #tpu.memory_space<vmem>> -> memref<125xi32, #tpu.memory_space<vmem>>
        %dma_wait3A_69 = arith.constant 0 : i32
        %dma_wait3A_70 = arith.constant 0 : i32
        %dma_wait3A_71 = tpu.memref_slice %arg11[%dma_wait3A_69, %dma_wait3A_70] : memref<10112x128xf32, #tpu.memory_space<vmem_shared>> -> memref<10112x128xf32, #tpu.memory_space<vmem_shared>>
        tpu.wait_indirect_dma semaphore(%run_scoped3A : memref<!tpu.dma_semaphore, #tpu.memory_space<semaphore_mem>>) src(%arg10 : memref<125x128xf32, #tpu.memory_space<vmem>>) dst(%dma_wait3A_71 : memref<10112x128xf32, #tpu.memory_space<vmem_shared>>)
        tpu.yield
      }) : () -> ()
    }
    %scan3A_13 = arith.constant 20 : i32
    "tpu.region"() ({
      %run_scoped3A = tpu.sem_alloc : memref<!tpu.dma_semaphore, #tpu.memory_space<semaphore_mem>>
      %dma_start3A_32 = arith.constant 40 : i32
      %dma_start3A_33 = arith.constant 0 : i32
      %dma_start3A_34 = tpu.memref_slice %arg3[%add3A, %dma_start3A_32, %dma_start3A_33] : memref<32x80x125xi32, #tpu.memory_space<hbm>> -> memref<1x40x125xi32, #tpu.memory_space<hbm>>
      %dma_start3A_35 = tpu.memref_squeeze %dma_start3A_34 : memref<1x40x125xi32, #tpu.memory_space<hbm>> -> memref<40x125xi32, #tpu.memory_space<hbm>>
      %dma_start3A_36 = arith.constant 40 : i32
      %dma_start3A_37 = arith.constant 0 : i32
      %dma_start3A_38 = tpu.memref_slice %arg3[%add3A, %dma_start3A_36, %dma_start3A_37] : memref<32x80x125xi32, #tpu.memory_space<hbm>> -> memref<1x40x125xi32, #tpu.memory_space<hbm>>
      %dma_start3A_39 = tpu.memref_squeeze %dma_start3A_38 : memref<1x40x125xi32, #tpu.memory_space<hbm>> -> memref<40x125xi32, #tpu.memory_space<hbm>>
      tpu.enqueue_dma source(%dma_start3A_39 : memref<40x125xi32, #tpu.memory_space<hbm>>) target(%arg7 : memref<40x125xi32, #tpu.memory_space<vmem>>) target_semaphore(%run_scoped3A : memref<!tpu.dma_semaphore, #tpu.memory_space<semaphore_mem>>)
      %dma_wait3A = arith.constant 40 : i32
      %dma_wait3A_40 = arith.constant 0 : i32
      %dma_wait3A_41 = tpu.memref_slice %arg3[%add3A, %dma_wait3A, %dma_wait3A_40] : memref<32x80x125xi32, #tpu.memory_space<hbm>> -> memref<1x40x125xi32, #tpu.memory_space<hbm>>
      %dma_wait3A_42 = tpu.memref_squeeze %dma_wait3A_41 : memref<1x40x125xi32, #tpu.memory_space<hbm>> -> memref<40x125xi32, #tpu.memory_space<hbm>>
      %dma_wait3A_43 = arith.constant 40 : i32
      %dma_wait3A_44 = arith.constant 0 : i32
      %dma_wait3A_45 = tpu.memref_slice %arg3[%add3A, %dma_wait3A_43, %dma_wait3A_44] : memref<32x80x125xi32, #tpu.memory_space<hbm>> -> memref<1x40x125xi32, #tpu.memory_space<hbm>>
      %dma_wait3A_46 = tpu.memref_squeeze %dma_wait3A_45 : memref<1x40x125xi32, #tpu.memory_space<hbm>> -> memref<40x125xi32, #tpu.memory_space<hbm>>
      tpu.wait_dma2 semaphore(%run_scoped3A : memref<!tpu.dma_semaphore, #tpu.memory_space<semaphore_mem>>) src(%dma_wait3A_46 : memref<40x125xi32, #tpu.memory_space<hbm>>) dst(%arg7 : memref<40x125xi32, #tpu.memory_space<vmem>>)
      tpu.yield
    }) : () -> ()
    "tpu.region"() ({
      %run_scoped3A = tpu.sem_alloc : memref<!tpu.dma_semaphore, #tpu.memory_space<semaphore_mem>>
      %dma_start3A_32 = arith.constant 40 : i32
      %dma_start3A_33 = arith.constant 0 : i32
      %dma_start3A_34 = tpu.memref_slice %arg4[%add3A, %dma_start3A_32, %dma_start3A_33] : memref<32x80x125xi32, #tpu.memory_space<hbm>> -> memref<1x40x125xi32, #tpu.memory_space<hbm>>
      %dma_start3A_35 = tpu.memref_squeeze %dma_start3A_34 : memref<1x40x125xi32, #tpu.memory_space<hbm>> -> memref<40x125xi32, #tpu.memory_space<hbm>>
      %dma_start3A_36 = arith.constant 40 : i32
      %dma_start3A_37 = arith.constant 0 : i32
      %dma_start3A_38 = tpu.memref_slice %arg4[%add3A, %dma_start3A_36, %dma_start3A_37] : memref<32x80x125xi32, #tpu.memory_space<hbm>> -> memref<1x40x125xi32, #tpu.memory_space<hbm>>
      %dma_start3A_39 = tpu.memref_squeeze %dma_start3A_38 : memref<1x40x125xi32, #tpu.memory_space<hbm>> -> memref<40x125xi32, #tpu.memory_space<hbm>>
      tpu.enqueue_dma source(%dma_start3A_39 : memref<40x125xi32, #tpu.memory_space<hbm>>) target(%arg8 : memref<40x125xi32, #tpu.memory_space<vmem>>) target_semaphore(%run_scoped3A : memref<!tpu.dma_semaphore, #tpu.memory_space<semaphore_mem>>)
      %dma_wait3A = arith.constant 40 : i32
      %dma_wait3A_40 = arith.constant 0 : i32
      %dma_wait3A_41 = tpu.memref_slice %arg4[%add3A, %dma_wait3A, %dma_wait3A_40] : memref<32x80x125xi32, #tpu.memory_space<hbm>> -> memref<1x40x125xi32, #tpu.memory_space<hbm>>
      %dma_wait3A_42 = tpu.memref_squeeze %dma_wait3A_41 : memref<1x40x125xi32, #tpu.memory_space<hbm>> -> memref<40x125xi32, #tpu.memory_space<hbm>>
      %dma_wait3A_43 = arith.constant 40 : i32
      %dma_wait3A_44 = arith.constant 0 : i32
      %dma_wait3A_45 = tpu.memref_slice %arg4[%add3A, %dma_wait3A_43, %dma_wait3A_44] : memref<32x80x125xi32, #tpu.memory_space<hbm>> -> memref<1x40x125xi32, #tpu.memory_space<hbm>>
      %dma_wait3A_46 = tpu.memref_squeeze %dma_wait3A_45 : memref<1x40x125xi32, #tpu.memory_space<hbm>> -> memref<40x125xi32, #tpu.memory_space<hbm>>
      tpu.wait_dma2 semaphore(%run_scoped3A : memref<!tpu.dma_semaphore, #tpu.memory_space<semaphore_mem>>) src(%dma_wait3A_46 : memref<40x125xi32, #tpu.memory_space<hbm>>) dst(%arg8 : memref<40x125xi32, #tpu.memory_space<vmem>>)
      tpu.yield
    }) : () -> ()
    %dma_start3A_14 = arith.constant 0 : i32
    %dma_start3A_15 = arith.constant 0 : i32
    %dma_start3A_16 = tpu.memref_slice %arg8[%dma_start3A_14, %dma_start3A_15] : memref<40x125xi32, #tpu.memory_space<vmem>> -> memref<1x125xi32, #tpu.memory_space<vmem>>
    %dma_start3A_17 = tpu.memref_squeeze %dma_start3A_16 : memref<1x125xi32, #tpu.memory_space<vmem>> -> memref<125xi32, #tpu.memory_space<vmem>>
    %dma_start3A_18 = arith.constant 0 : i32
    %dma_start3A_19 = arith.constant 0 : i32
    %dma_start3A_20 = tpu.memref_slice %arg2[%dma_start3A_18, %dma_start3A_19] : memref<10000x128xf32, #tpu.memory_space<hbm>> -> memref<10000x128xf32, #tpu.memory_space<hbm>>
    tpu.enqueue_indirect_dma source(%dma_start3A_20 : memref<10000x128xf32, #tpu.memory_space<hbm>>) target(%arg9 : memref<125x128xf32, #tpu.memory_space<vmem>>) offsets(%dma_start3A_17 : memref<125xi32, #tpu.memory_space<vmem>>) semaphore(%arg12 : memref<!tpu.dma_semaphore, #tpu.memory_space<semaphore_mem>>)
    %scan3A_21 = arith.constant 0 : i32
    %scan3A_22 = arith.constant 0 : i32
    %scan3A_23 = arith.constant 20 : i32
    %scan3A_24 = arith.addi %scan3A_22, %scan3A_23 : i32
    %scan3A_25 = arith.constant 1 : i32
    scf.for %scan3A_32 = %scan3A_22 to %scan3A_24 step %scan3A_25  : i32 {
      %mul3A_33 = arith.constant 2 : i32
      %mul3A_34 = arith.muli %mul3A_33, %scan3A_32 : i32
      %add3A_35 = arith.constant 1 : i32
      %add3A_36 = arith.addi %mul3A_34, %add3A_35 : i32
      %dma_start3A_37 = arith.constant 0 : i32
      %dma_start3A_38 = tpu.memref_slice %arg8[%add3A_36, %dma_start3A_37] : memref<40x125xi32, #tpu.memory_space<vmem>> -> memref<1x125xi32, #tpu.memory_space<vmem>>
      %dma_start3A_39 = tpu.memref_squeeze %dma_start3A_38 : memref<1x125xi32, #tpu.memory_space<vmem>> -> memref<125xi32, #tpu.memory_space<vmem>>
      %dma_start3A_40 = arith.constant 0 : i32
      %dma_start3A_41 = arith.constant 0 : i32
      %dma_start3A_42 = tpu.memref_slice %arg2[%dma_start3A_40, %dma_start3A_41] : memref<10000x128xf32, #tpu.memory_space<hbm>> -> memref<10000x128xf32, #tpu.memory_space<hbm>>
      tpu.enqueue_indirect_dma source(%dma_start3A_42 : memref<10000x128xf32, #tpu.memory_space<hbm>>) target(%arg10 : memref<125x128xf32, #tpu.memory_space<vmem>>) offsets(%dma_start3A_39 : memref<125xi32, #tpu.memory_space<vmem>>) semaphore(%arg13 : memref<!tpu.dma_semaphore, #tpu.memory_space<semaphore_mem>>)
      %dma_wait3A = arith.constant 0 : i32
      %dma_wait3A_43 = tpu.memref_slice %arg8[%mul3A_34, %dma_wait3A] : memref<40x125xi32, #tpu.memory_space<vmem>> -> memref<1x125xi32, #tpu.memory_space<vmem>>
      %dma_wait3A_44 = tpu.memref_squeeze %dma_wait3A_43 : memref<1x125xi32, #tpu.memory_space<vmem>> -> memref<125xi32, #tpu.memory_space<vmem>>
      %dma_wait3A_45 = arith.constant 0 : i32
      %dma_wait3A_46 = arith.constant 0 : i32
      %dma_wait3A_47 = tpu.memref_slice %arg2[%dma_wait3A_45, %dma_wait3A_46] : memref<10000x128xf32, #tpu.memory_space<hbm>> -> memref<10000x128xf32, #tpu.memory_space<hbm>>
      tpu.wait_indirect_dma semaphore(%arg12 : memref<!tpu.dma_semaphore, #tpu.memory_space<semaphore_mem>>) src(%dma_wait3A_47 : memref<10000x128xf32, #tpu.memory_space<hbm>>) dst(%arg9 : memref<125x128xf32, #tpu.memory_space<vmem>>)
      "tpu.region"() ({
        %run_scoped3A = tpu.sem_alloc : memref<!tpu.dma_semaphore, #tpu.memory_space<semaphore_mem>>
        %dma_start3A_60 = arith.constant 0 : i32
        %dma_start3A_61 = tpu.memref_slice %arg7[%mul3A_34, %dma_start3A_60] : memref<40x125xi32, #tpu.memory_space<vmem>> -> memref<1x125xi32, #tpu.memory_space<vmem>>
        %dma_start3A_62 = tpu.memref_squeeze %dma_start3A_61 : memref<1x125xi32, #tpu.memory_space<vmem>> -> memref<125xi32, #tpu.memory_space<vmem>>
        %dma_start3A_63 = arith.constant 0 : i32
        %dma_start3A_64 = arith.constant 0 : i32
        %dma_start3A_65 = tpu.memref_slice %arg11[%dma_start3A_63, %dma_start3A_64] : memref<10112x128xf32, #tpu.memory_space<vmem_shared>> -> memref<10112x128xf32, #tpu.memory_space<vmem_shared>>
        tpu.enqueue_indirect_dma source(%arg9 : memref<125x128xf32, #tpu.memory_space<vmem>>) target(%dma_start3A_65 : memref<10112x128xf32, #tpu.memory_space<vmem_shared>>) offsets(%dma_start3A_62 : memref<125xi32, #tpu.memory_space<vmem>>) semaphore(%run_scoped3A : memref<!tpu.dma_semaphore, #tpu.memory_space<semaphore_mem>>) {add = true}
        %dma_wait3A_66 = arith.constant 0 : i32
        %dma_wait3A_67 = tpu.memref_slice %arg7[%mul3A_34, %dma_wait3A_66] : memref<40x125xi32, #tpu.memory_space<vmem>> -> memref<1x125xi32, #tpu.memory_space<vmem>>
        %dma_wait3A_68 = tpu.memref_squeeze %dma_wait3A_67 : memref<1x125xi32, #tpu.memory_space<vmem>> -> memref<125xi32, #tpu.memory_space<vmem>>
        %dma_wait3A_69 = arith.constant 0 : i32
        %dma_wait3A_70 = arith.constant 0 : i32
        %dma_wait3A_71 = tpu.memref_slice %arg11[%dma_wait3A_69, %dma_wait3A_70] : memref<10112x128xf32, #tpu.memory_space<vmem_shared>> -> memref<10112x128xf32, #tpu.memory_space<vmem_shared>>
        tpu.wait_indirect_dma semaphore(%run_scoped3A : memref<!tpu.dma_semaphore, #tpu.memory_space<semaphore_mem>>) src(%arg9 : memref<125x128xf32, #tpu.memory_space<vmem>>) dst(%dma_wait3A_71 : memref<10112x128xf32, #tpu.memory_space<vmem_shared>>)
        tpu.yield
      }) : () -> ()
      %lt3A = arith.constant 19 : i32
      %lt3A_48 = arith.cmpi slt, %scan3A_32, %lt3A : i32
      %convert_element_type3A = arith.extui %lt3A_48 : i1 to i32
      %cond3A = arith.constant 0 : i32
      %cond3A_49 = arith.cmpi ne, %convert_element_type3A, %cond3A : i32
      scf.if %cond3A_49 {
        %add3A_60 = arith.constant 2 : i32
        %add3A_61 = arith.addi %mul3A_34, %add3A_60 : i32
        %dma_start3A_62 = arith.constant 0 : i32
        %dma_start3A_63 = tpu.memref_slice %arg8[%add3A_61, %dma_start3A_62] : memref<40x125xi32, #tpu.memory_space<vmem>> -> memref<1x125xi32, #tpu.memory_space<vmem>>
        %dma_start3A_64 = tpu.memref_squeeze %dma_start3A_63 : memref<1x125xi32, #tpu.memory_space<vmem>> -> memref<125xi32, #tpu.memory_space<vmem>>
        %dma_start3A_65 = arith.constant 0 : i32
        %dma_start3A_66 = arith.constant 0 : i32
        %dma_start3A_67 = tpu.memref_slice %arg2[%dma_start3A_65, %dma_start3A_66] : memref<10000x128xf32, #tpu.memory_space<hbm>> -> memref<10000x128xf32, #tpu.memory_space<hbm>>
        tpu.enqueue_indirect_dma source(%dma_start3A_67 : memref<10000x128xf32, #tpu.memory_space<hbm>>) target(%arg9 : memref<125x128xf32, #tpu.memory_space<vmem>>) offsets(%dma_start3A_64 : memref<125xi32, #tpu.memory_space<vmem>>) semaphore(%arg12 : memref<!tpu.dma_semaphore, #tpu.memory_space<semaphore_mem>>)
      } else {
      }
      %add3A_50 = arith.constant 1 : i32
      %add3A_51 = arith.addi %mul3A_34, %add3A_50 : i32
      %dma_wait3A_52 = arith.constant 0 : i32
      %dma_wait3A_53 = tpu.memref_slice %arg8[%add3A_51, %dma_wait3A_52] : memref<40x125xi32, #tpu.memory_space<vmem>> -> memref<1x125xi32, #tpu.memory_space<vmem>>
      %dma_wait3A_54 = tpu.memref_squeeze %dma_wait3A_53 : memref<1x125xi32, #tpu.memory_space<vmem>> -> memref<125xi32, #tpu.memory_space<vmem>>
      %dma_wait3A_55 = arith.constant 0 : i32
      %dma_wait3A_56 = arith.constant 0 : i32
      %dma_wait3A_57 = tpu.memref_slice %arg2[%dma_wait3A_55, %dma_wait3A_56] : memref<10000x128xf32, #tpu.memory_space<hbm>> -> memref<10000x128xf32, #tpu.memory_space<hbm>>
      tpu.wait_indirect_dma semaphore(%arg13 : memref<!tpu.dma_semaphore, #tpu.memory_space<semaphore_mem>>) src(%dma_wait3A_57 : memref<10000x128xf32, #tpu.memory_space<hbm>>) dst(%arg10 : memref<125x128xf32, #tpu.memory_space<vmem>>)
      %add3A_58 = arith.constant 1 : i32
      %add3A_59 = arith.addi %mul3A_34, %add3A_58 : i32
      "tpu.region"() ({
        %run_scoped3A = tpu.sem_alloc : memref<!tpu.dma_semaphore, #tpu.memory_space<semaphore_mem>>
        %dma_start3A_60 = arith.constant 0 : i32
        %dma_start3A_61 = tpu.memref_slice %arg7[%add3A_59, %dma_start3A_60] : memref<40x125xi32, #tpu.memory_space<vmem>> -> memref<1x125xi32, #tpu.memory_space<vmem>>
        %dma_start3A_62 = tpu.memref_squeeze %dma_start3A_61 : memref<1x125xi32, #tpu.memory_space<vmem>> -> memref<125xi32, #tpu.memory_space<vmem>>
        %dma_start3A_63 = arith.constant 0 : i32
        %dma_start3A_64 = arith.constant 0 : i32
        %dma_start3A_65 = tpu.memref_slice %arg11[%dma_start3A_63, %dma_start3A_64] : memref<10112x128xf32, #tpu.memory_space<vmem_shared>> -> memref<10112x128xf32, #tpu.memory_space<vmem_shared>>
        tpu.enqueue_indirect_dma source(%arg10 : memref<125x128xf32, #tpu.memory_space<vmem>>) target(%dma_start3A_65 : memref<10112x128xf32, #tpu.memory_space<vmem_shared>>) offsets(%dma_start3A_62 : memref<125xi32, #tpu.memory_space<vmem>>) semaphore(%run_scoped3A : memref<!tpu.dma_semaphore, #tpu.memory_space<semaphore_mem>>) {add = true}
        %dma_wait3A_66 = arith.constant 0 : i32
        %dma_wait3A_67 = tpu.memref_slice %arg7[%add3A_59, %dma_wait3A_66] : memref<40x125xi32, #tpu.memory_space<vmem>> -> memref<1x125xi32, #tpu.memory_space<vmem>>
        %dma_wait3A_68 = tpu.memref_squeeze %dma_wait3A_67 : memref<1x125xi32, #tpu.memory_space<vmem>> -> memref<125xi32, #tpu.memory_space<vmem>>
        %dma_wait3A_69 = arith.constant 0 : i32
        %dma_wait3A_70 = arith.constant 0 : i32
        %dma_wait3A_71 = tpu.memref_slice %arg11[%dma_wait3A_69, %dma_wait3A_70] : memref<10112x128xf32, #tpu.memory_space<vmem_shared>> -> memref<10112x128xf32, #tpu.memory_space<vmem_shared>>
        tpu.wait_indirect_dma semaphore(%run_scoped3A : memref<!tpu.dma_semaphore, #tpu.memory_space<semaphore_mem>>) src(%arg10 : memref<125x128xf32, #tpu.memory_space<vmem>>) dst(%dma_wait3A_71 : memref<10112x128xf32, #tpu.memory_space<vmem_shared>>)
        tpu.yield
      }) : () -> ()
    }
    %scan3A_26 = arith.constant 20 : i32
    %barrier3A_27 = arith.constant 0 : index
    tpu.barrier barrier_id(%barrier3A_27)
    %mul3A_28 = arith.constant 632 : i32
    %mul3A_29 = arith.muli %arg1, %mul3A_28 : i32
    %mul3A_30 = arith.constant 632 : i32
    %mul3A_31 = arith.muli %arg1, %mul3A_30 : i32
    "tpu.region"() ({
      %run_scoped3A = tpu.sem_alloc : memref<!tpu.dma_semaphore, #tpu.memory_space<semaphore_mem>>
      %dma_start3A_32 = arith.constant 0 : i32
      %dma_start3A_33 = tpu.memref_slice %arg6[%arg0, %mul3A_31, %dma_start3A_32] : memref<2x10112x128xf32, #tpu.memory_space<hbm>> -> memref<1x632x128xf32, #tpu.memory_space<hbm>>
      %dma_start3A_34 = tpu.memref_squeeze %dma_start3A_33 : memref<1x632x128xf32, #tpu.memory_space<hbm>> -> memref<632x128xf32, #tpu.memory_space<hbm>>
      %dma_start3A_35 = arith.constant 0 : i32
      %dma_start3A_36 = tpu.memref_slice %arg11[%mul3A_29, %dma_start3A_35] : memref<10112x128xf32, #tpu.memory_space<vmem_shared>> -> memref<632x128xf32, #tpu.memory_space<vmem_shared>>
      tpu.enqueue_dma source(%dma_start3A_36 : memref<632x128xf32, #tpu.memory_space<vmem_shared>>) target(%dma_start3A_34 : memref<632x128xf32, #tpu.memory_space<hbm>>) target_semaphore(%run_scoped3A : memref<!tpu.dma_semaphore, #tpu.memory_space<semaphore_mem>>)
      %dma_wait3A = arith.constant 0 : i32
      %dma_wait3A_37 = tpu.memref_slice %arg6[%arg0, %mul3A_31, %dma_wait3A] : memref<2x10112x128xf32, #tpu.memory_space<hbm>> -> memref<1x632x128xf32, #tpu.memory_space<hbm>>
      %dma_wait3A_38 = tpu.memref_squeeze %dma_wait3A_37 : memref<1x632x128xf32, #tpu.memory_space<hbm>> -> memref<632x128xf32, #tpu.memory_space<hbm>>
      %dma_wait3A_39 = arith.constant 0 : i32
      %dma_wait3A_40 = tpu.memref_slice %arg11[%mul3A_29, %dma_wait3A_39] : memref<10112x128xf32, #tpu.memory_space<vmem_shared>> -> memref<632x128xf32, #tpu.memory_space<vmem_shared>>
      tpu.wait_dma2 semaphore(%run_scoped3A : memref<!tpu.dma_semaphore, #tpu.memory_space<semaphore_mem>>) src(%dma_wait3A_40 : memref<632x128xf32, #tpu.memory_space<vmem_shared>>) dst(%dma_wait3A_38 : memref<632x128xf32, #tpu.memory_space<hbm>>)
      tpu.yield
    }) : () -> ()
    return
  }
}

module attributes {stable_mosaic.version = 14 : i64} {
  func.func @_dense_body(%arg0: memref<10000x128xf32, #tpu.memory_space<vmem>>, %arg1: memref<2x10112x128xf32, #tpu.memory_space<vmem>>, %arg2: memref<128x128xf32, #tpu.memory_space<vmem>>, %arg3: memref<128x128xf32, #tpu.memory_space<vmem>>, %arg4: memref<1x128xf32, #tpu.memory_space<vmem>>, %arg5: memref<1x128xf32, #tpu.memory_space<vmem>>, %arg6: memref<10000x128xf32, #tpu.memory_space<vmem>>) attributes {dimension_semantics = [], scalar_prefetch = 0 : i64, scratch_operands = 0 : i64, tpu.core_type = #tpu.core_type<tc>} {
    %get3A = arith.constant 0 : index
    %get3A_0 = arith.constant 0 : index
    %get3A_1 = arith.constant 0 : index
    %get3A_2 = vector.load %arg1[%get3A, %get3A_0, %get3A_1] : memref<2x10112x128xf32, #tpu.memory_space<vmem>>, vector<1x10000x128xf32>
    %get3A_3 = vector.shape_cast %get3A_2 : vector<1x10000x128xf32> to vector<10000x128xf32>
    %get3A_4 = arith.constant 1 : index
    %get3A_5 = arith.constant 0 : index
    %get3A_6 = arith.constant 0 : index
    %get3A_7 = vector.load %arg1[%get3A_4, %get3A_5, %get3A_6] : memref<2x10112x128xf32, #tpu.memory_space<vmem>>, vector<1x10000x128xf32>
    %get3A_8 = vector.shape_cast %get3A_7 : vector<1x10000x128xf32> to vector<10000x128xf32>
    %add3A = arith.addf %get3A_3, %get3A_8 : vector<10000x128xf32>
    %get3A_9 = arith.constant 0 : index
    %get3A_10 = arith.constant 0 : index
    %get3A_11 = vector.load %arg0[%get3A_9, %get3A_10] : memref<10000x128xf32, #tpu.memory_space<vmem>>, vector<10000x128xf32>
    %get3A_12 = arith.constant 0 : index
    %get3A_13 = arith.constant 0 : index
    %get3A_14 = vector.load %arg2[%get3A_12, %get3A_13] : memref<128x128xf32, #tpu.memory_space<vmem>>, vector<128x128xf32>
    %dot_general3A = arith.constant dense<0.000000e+00> : vector<10000x128xf32>
    %dot_general3A_15 = tpu.matmul %get3A_11, %get3A_14, %dot_general3A {dimension_numbers = #tpu.dot_dimension_numbers<[1], [0], [0], [1], [0, 0, 1, 1], [], []>, transpose_lhs_hint = false} : vector<10000x128xf32>, vector<128x128xf32>, vector<10000x128xf32> -> vector<10000x128xf32>
    %get3A_16 = arith.constant 0 : index
    %get3A_17 = arith.constant 0 : index
    %get3A_18 = vector.load %arg3[%get3A_16, %get3A_17] : memref<128x128xf32, #tpu.memory_space<vmem>>, vector<128x128xf32>
    %dot_general3A_19 = arith.constant dense<0.000000e+00> : vector<10000x128xf32>
    %dot_general3A_20 = tpu.matmul %add3A, %get3A_18, %dot_general3A_19 {dimension_numbers = #tpu.dot_dimension_numbers<[1], [0], [0], [1], [0, 0, 1, 1], [], []>, transpose_lhs_hint = false} : vector<10000x128xf32>, vector<128x128xf32>, vector<10000x128xf32> -> vector<10000x128xf32>
    %add3A_21 = arith.addf %dot_general3A_15, %dot_general3A_20 : vector<10000x128xf32>
    %reduce_sum3A = arith.constant dense<0.000000e+00> : vector<128xf32>
    %reduce_sum3A_22 = vector.multi_reduction <add>, %add3A_21, %reduce_sum3A [0] : vector<10000x128xf32> to vector<128xf32>
    %broadcast_in_dim3A = vector.shape_cast %reduce_sum3A_22 : vector<128xf32> to vector<1x128xf32>
    %div3A = arith.constant 1.000000e+04 : f32
    %div3A_23 = vector.broadcast %div3A : f32 to vector<1x128xf32>
    %div3A_24 = arith.divf %broadcast_in_dim3A, %div3A_23 : vector<1x128xf32>
    %sub3A = vector.broadcast %div3A_24 : vector<1x128xf32> to vector<10000x128xf32>
    %sub3A_25 = arith.subf %add3A_21, %sub3A : vector<10000x128xf32>
    %mul3A = arith.mulf %sub3A_25, %sub3A_25 : vector<10000x128xf32>
    %reduce_sum3A_26 = arith.constant dense<0.000000e+00> : vector<128xf32>
    %reduce_sum3A_27 = vector.multi_reduction <add>, %mul3A, %reduce_sum3A_26 [0] : vector<10000x128xf32> to vector<128xf32>
    %broadcast_in_dim3A_28 = vector.shape_cast %reduce_sum3A_27 : vector<128xf32> to vector<1x128xf32>
    %div3A_29 = arith.constant 1.000000e+04 : f32
    %div3A_30 = vector.broadcast %div3A_29 : f32 to vector<1x128xf32>
    %div3A_31 = arith.divf %broadcast_in_dim3A_28, %div3A_30 : vector<1x128xf32>
    %add3A_32 = arith.constant 9.99999974E-6 : f32
    %add3A_33 = vector.broadcast %add3A_32 : f32 to vector<1x128xf32>
    %add3A_34 = arith.addf %div3A_31, %add3A_33 : vector<1x128xf32>
    %rsqrt3A = math.rsqrt %add3A_34 : vector<1x128xf32>
    %mul3A_35 = vector.broadcast %rsqrt3A : vector<1x128xf32> to vector<10000x128xf32>
    %mul3A_36 = arith.mulf %sub3A_25, %mul3A_35 : vector<10000x128xf32>
    %get3A_37 = arith.constant 0 : index
    %get3A_38 = arith.constant 0 : index
    %get3A_39 = vector.load %arg4[%get3A_37, %get3A_38] : memref<1x128xf32, #tpu.memory_space<vmem>>, vector<1x128xf32>
    %mul3A_40 = vector.broadcast %get3A_39 : vector<1x128xf32> to vector<10000x128xf32>
    %mul3A_41 = arith.mulf %mul3A_36, %mul3A_40 : vector<10000x128xf32>
    %get3A_42 = arith.constant 0 : index
    %get3A_43 = arith.constant 0 : index
    %get3A_44 = vector.load %arg5[%get3A_42, %get3A_43] : memref<1x128xf32, #tpu.memory_space<vmem>>, vector<1x128xf32>
    %add3A_45 = vector.broadcast %get3A_44 : vector<1x128xf32> to vector<10000x128xf32>
    %add3A_46 = arith.addf %mul3A_41, %add3A_45 : vector<10000x128xf32>
    %max3A = arith.constant 0.000000e+00 : f32
    %max3A_47 = vector.broadcast %max3A : f32 to vector<10000x128xf32>
    %max3A_48 = arith.maximumf %add3A_46, %max3A_47 : vector<10000x128xf32>
    %swap3A = arith.constant 0 : index
    %swap3A_49 = arith.constant 0 : index
    %swap3A_50 = vector.load %arg6[%swap3A, %swap3A_49] : memref<10000x128xf32, #tpu.memory_space<vmem>>, vector<10000x128xf32>
    tpu.vector_store %arg6[%swap3A, %swap3A_49], %max3A_48 {strides = array<i32>} : memref<10000x128xf32, #tpu.memory_space<vmem>>, vector<10000x128xf32>,
    return
  }
}

module attributes {stable_mosaic.version = 14 : i64} {
  func.func @_dense_body(%arg0: memref<10000x128xf32, #tpu.memory_space<vmem>>, %arg1: memref<2x10112x128xf32, #tpu.memory_space<vmem>>, %arg2: memref<128x128xf32, #tpu.memory_space<vmem>>, %arg3: memref<128x128xf32, #tpu.memory_space<vmem>>, %arg4: memref<1x128xf32, #tpu.memory_space<vmem>>, %arg5: memref<1x128xf32, #tpu.memory_space<vmem>>, %arg6: memref<10000x128xf32, #tpu.memory_space<vmem>>) attributes {dimension_semantics = [], scalar_prefetch = 0 : i64, scratch_operands = 0 : i64, tpu.core_type = #tpu.core_type<tc>} {
    %get3A = arith.constant 0 : index
    %get3A_0 = arith.constant 0 : index
    %get3A_1 = arith.constant 0 : index
    %get3A_2 = vector.load %arg1[%get3A, %get3A_0, %get3A_1] : memref<2x10112x128xf32, #tpu.memory_space<vmem>>, vector<1x10000x128xf32>
    %get3A_3 = vector.shape_cast %get3A_2 : vector<1x10000x128xf32> to vector<10000x128xf32>
    %get3A_4 = arith.constant 1 : index
    %get3A_5 = arith.constant 0 : index
    %get3A_6 = arith.constant 0 : index
    %get3A_7 = vector.load %arg1[%get3A_4, %get3A_5, %get3A_6] : memref<2x10112x128xf32, #tpu.memory_space<vmem>>, vector<1x10000x128xf32>
    %get3A_8 = vector.shape_cast %get3A_7 : vector<1x10000x128xf32> to vector<10000x128xf32>
    %add3A = arith.addf %get3A_3, %get3A_8 : vector<10000x128xf32>
    %get3A_9 = arith.constant 0 : index
    %get3A_10 = arith.constant 0 : index
    %get3A_11 = vector.load %arg0[%get3A_9, %get3A_10] : memref<10000x128xf32, #tpu.memory_space<vmem>>, vector<10000x128xf32>
    %get3A_12 = arith.constant 0 : index
    %get3A_13 = arith.constant 0 : index
    %get3A_14 = vector.load %arg2[%get3A_12, %get3A_13] : memref<128x128xf32, #tpu.memory_space<vmem>>, vector<128x128xf32>
    %dot_general3A = arith.constant dense<0.000000e+00> : vector<10000x128xf32>
    %dot_general3A_15 = tpu.matmul %get3A_11, %get3A_14, %dot_general3A {dimension_numbers = #tpu.dot_dimension_numbers<[1], [0], [0], [1], [0, 0, 1, 1], [], []>, transpose_lhs_hint = false} : vector<10000x128xf32>, vector<128x128xf32>, vector<10000x128xf32> -> vector<10000x128xf32>
    %get3A_16 = arith.constant 0 : index
    %get3A_17 = arith.constant 0 : index
    %get3A_18 = vector.load %arg3[%get3A_16, %get3A_17] : memref<128x128xf32, #tpu.memory_space<vmem>>, vector<128x128xf32>
    %dot_general3A_19 = arith.constant dense<0.000000e+00> : vector<10000x128xf32>
    %dot_general3A_20 = tpu.matmul %add3A, %get3A_18, %dot_general3A_19 {dimension_numbers = #tpu.dot_dimension_numbers<[1], [0], [0], [1], [0, 0, 1, 1], [], []>, transpose_lhs_hint = false} : vector<10000x128xf32>, vector<128x128xf32>, vector<10000x128xf32> -> vector<10000x128xf32>
    %add3A_21 = arith.addf %dot_general3A_15, %dot_general3A_20 : vector<10000x128xf32>
    %reduce_sum3A = arith.constant dense<0.000000e+00> : vector<128xf32>
    %reduce_sum3A_22 = vector.multi_reduction <add>, %add3A_21, %reduce_sum3A [0] : vector<10000x128xf32> to vector<128xf32>
    %broadcast_in_dim3A = vector.shape_cast %reduce_sum3A_22 : vector<128xf32> to vector<1x128xf32>
    %div3A = arith.constant 1.000000e+04 : f32
    %div3A_23 = vector.broadcast %div3A : f32 to vector<1x128xf32>
    %div3A_24 = arith.divf %broadcast_in_dim3A, %div3A_23 : vector<1x128xf32>
    %sub3A = vector.broadcast %div3A_24 : vector<1x128xf32> to vector<10000x128xf32>
    %sub3A_25 = arith.subf %add3A_21, %sub3A : vector<10000x128xf32>
    %mul3A = arith.mulf %sub3A_25, %sub3A_25 : vector<10000x128xf32>
    %reduce_sum3A_26 = arith.constant dense<0.000000e+00> : vector<128xf32>
    %reduce_sum3A_27 = vector.multi_reduction <add>, %mul3A, %reduce_sum3A_26 [0] : vector<10000x128xf32> to vector<128xf32>
    %broadcast_in_dim3A_28 = vector.shape_cast %reduce_sum3A_27 : vector<128xf32> to vector<1x128xf32>
    %div3A_29 = arith.constant 1.000000e+04 : f32
    %div3A_30 = vector.broadcast %div3A_29 : f32 to vector<1x128xf32>
    %div3A_31 = arith.divf %broadcast_in_dim3A_28, %div3A_30 : vector<1x128xf32>
    %add3A_32 = arith.constant 9.99999974E-6 : f32
    %add3A_33 = vector.broadcast %add3A_32 : f32 to vector<1x128xf32>
    %add3A_34 = arith.addf %div3A_31, %add3A_33 : vector<1x128xf32>
    %rsqrt3A = math.rsqrt %add3A_34 : vector<1x128xf32>
    %mul3A_35 = vector.broadcast %rsqrt3A : vector<1x128xf32> to vector<10000x128xf32>
    %mul3A_36 = arith.mulf %sub3A_25, %mul3A_35 : vector<10000x128xf32>
    %get3A_37 = arith.constant 0 : index
    %get3A_38 = arith.constant 0 : index
    %get3A_39 = vector.load %arg4[%get3A_37, %get3A_38] : memref<1x128xf32, #tpu.memory_space<vmem>>, vector<1x128xf32>
    %mul3A_40 = vector.broadcast %get3A_39 : vector<1x128xf32> to vector<10000x128xf32>
    %mul3A_41 = arith.mulf %mul3A_36, %mul3A_40 : vector<10000x128xf32>
    %get3A_42 = arith.constant 0 : index
    %get3A_43 = arith.constant 0 : index
    %get3A_44 = vector.load %arg5[%get3A_42, %get3A_43] : memref<1x128xf32, #tpu.memory_space<vmem>>, vector<1x128xf32>
    %add3A_45 = vector.broadcast %get3A_44 : vector<1x128xf32> to vector<10000x128xf32>
    %add3A_46 = arith.addf %mul3A_41, %add3A_45 : vector<10000x128xf32>
    %max3A = arith.constant 0.000000e+00 : f32
    %max3A_47 = vector.broadcast %max3A : f32 to vector<10000x128xf32>
    %max3A_48 = arith.maximumf %add3A_46, %max3A_47 : vector<10000x128xf32>
    %swap3A = arith.constant 0 : index
    %swap3A_49 = arith.constant 0 : index
    %swap3A_50 = vector.load %arg6[%swap3A, %swap3A_49] : memref<10000x128xf32, #tpu.memory_space<vmem>>, vector<10000x128xf32>
    tpu.vector_store %arg6[%swap3A, %swap3A_49], %max3A_48 {strides = array<i32>} : memref<10000x128xf32, #tpu.memory_space<vmem>>, vector<10000x128xf32>,
    return
  }
}

</mosaic_0001>

<sc_bundles>
// kernel: kernel.6.cloned.1.call-start
scs
__scs_entry_jumppad:
0x0: {  	(pc) =	sbr.rel $0x88, $3  }
0x1: {  	(tag) =	ssettag $0x0;
	lr =	simm.s32 $0x1  }
0x2: {  	[smem:$0x3F97] =	sst lr;
	_ =	strace $0xD0000000  }
0x3: {  	_ = 	snop  }
0x4: {  	_ = 	snop  }
0x5: {  	_ = 	snop  }
0x6: {  	_ = 	snop  }
0x7: {  	_ = 	snop  }
__scs_overlays_trampoline_lowered:
0x8: {  	[smem:$0x3FA6] =	sst s0  }
0x9: {  	[smem:$0x3FA7] =	sst s1  }
0xa: {  	[smem:$0x3FA8] =	sst s2  }
0xb: {  	[smem:$0x3FA9] =	sst s3  }
0xc: {  	[smem:$0x3FAA] =	sst s4  }
0xd: {  	[smem:$0x3FAB] =	sst s5  }
0xe: {  	[smem:$0x3FAC] =	sst s6  }
0xf: {  	[smem:$0x3FAD] =	sst s7  }
0x10: {  	[smem:$0x3FAE] =	sst s8  }
0x11: {  	[smem:$0x3FAF] =	sst s9;
	s0 =	simm.s32 @!p0 $0x0  }
0x12: {  	s1 =	sld [smem:$0x3F95];
	s0 =	simm.s32 @p0 $0x1  }
0x13: {  	[smem:$0x3FB0] =	sst s0;
	s0 =	simm.s32 @!p1 $0x0  }
0x14: {  	s2 =	sld [smem:$0x3F94];
	s0 =	simm.s32 @p1 $0x1  }
0x15: {  	[smem:$0x3FB1] =	sst s0;
	s0 =	simm.s32 @!p2 $0x0  }
0x16: {  	s3 =	sld [smem:$0x3FDB];
	s0 =	simm.s32 @p2 $0x1  }
0x17: {  	s4 =	simm.s32 $0x1BF5;
	[smem:$0x3FB3] =	sst s0  }
0x18: {  	s0 =	sld [smem:$0x3F96];
	_ =	swait.ge [sflag:s4], $0x0  }
0x19: {  	s7 =	sld [smem:$0x3F97]  }
0x1a: {  	s8 =	sadd.s32 $0xFFFFE003, lr  }
0x1b: {  	s9 =	sadd.s32 $0xFFFFFEF7, lr;
	s5 =	simm.s32 $0xFFFFFFFF;
	p2 =	slt.u32 s8, $0xFFFFF086  }
0x1c: {  	p1 =	slt.u32 s9, $0xF7A;
	s5 =	simm.s32 @!p2 $0x0  }
0x1d: {  	s5 =	simm.s32 @p1 $0x1;
	p0 =	seq.s32 s7, s2  }
0x1e: {  	s7 =	smul.u32 @!p0 $0xF7A, s2;
	p2 =	seq.s32 @!p0 s5, $0x0  }
0x1f: {  	s9 =	smul.u32 $0xF7A, s1;
	s8 =	simm.s32 @!p0 $0x1BF5;
	p2 =	por !p2, p0  }
0x20: {  	[sflag:s8] =	ssyncset.s32 @!p0 $0xFFFFF086;
	s6 =	sadd.s32 @!p0 s3, s7;
	s7 =	simm.s32 @!p0 $0x108  }
0x21: {  	s3 =	sadd.s32 s3, s9;
	s6 =	sadd.s32 @!p0 $0x88, s6;
	s7 =	simm.s32 @p2 $0x1082  }
0x22: {  	[simem:s7], [sflag:s8] =	dma.local @!p0 [hbm:s6], $0xF7A  }
0x23: {  	s9 =	sor.u32 $0xD0000000, s2;
	s6 =	simm.s32 $0x108;
	_ =	swait.ge @!p0 [sflag:s8], $0x0  }
0x24: {  	s3 =	sadd.s32 $0x88, s3;
	s6 =	simm.s32 @!p1 $0x1082;
	[sflag:s4] =	ssyncset.s32 $0xFFFFF086  }
0x25: {  	[simem:s6], [sflag:s4] =	dma.local [hbm:s3], $0xF7A  }
0x26: {  	[smem:$0x3F97] =	sst s1;
	(tag) =	ssettag s2;
	_ =	strace s9  }
0x27: {  	s1 =	sld [smem:$0x3FA7]  }
0x28: {  	s2 =	sld [smem:$0x3FA8]  }
0x29: {  	s4 =	sld [smem:$0x3FAA]  }
0x2a: {  	p0 =	seq.s32 s5, $0x0;
	s5 =	sld [smem:$0x3FAB]  }
0x2b: {  	s6 =	sld [smem:$0x3FAC]  }
0x2c: {  	s7 =	sld [smem:$0x3FAD]  }
0x2d: {  	s3 =	simm.s32 $0x108;
	s8 =	sld [smem:$0x3FAE]  }
0x2e: {  	s3 =	simm.s32 @!p0 $0x1082;
	s9 =	sld [smem:$0x3FAF]  }
0x2f: {  	lr =	sadd.s32 s0, s3;
	s0 =	sld [smem:$0x3FA6]  }
0x30: {  	s3 =	sld [smem:$0x3FA9]  }
0x31: {  	[smem:$0x3FB2] =	sst s10  }
0x32: {  	s10 =	sld [smem:$0x3FB0];
	_ =	sdelay $0x3  }
0x33: {  	p0 =	seq.s32 s10, $0x1;
	s10 =	sld [smem:$0x3FB2];
	_ =	sdelay $0x3  }
0x34: {  	[smem:$0x3FB2] =	sst s10  }
0x35: {  	s10 =	sld [smem:$0x3FB1];
	_ =	sdelay $0x3  }
0x36: {  	p1 =	seq.s32 s10, $0x1;
	s10 =	sld [smem:$0x3FB2];
	_ =	sdelay $0x3  }
0x37: {  	[smem:$0x3FB2] =	sst s10  }
0x38: {  	s10 =	sld [smem:$0x3FB3]  }
0x39: {  	_ = 	snop;
	(pc) =	sbr.ind lr, $3  }
0x3a: {  	_ = 	snop  }
0x3b: {  	_ = 	snop  }
0x3c: {  	p2 =	seq.s32 s10, $0x1;
	s10 =	sld [smem:$0x3FB2]  }
0x3d: {  	_ =	shalt  }
0x3e: {  	_ =	shalt  }
0x3f: {  	_ =	shalt  }
0x40: {  	_ =	shalt  }
0x41: {  	_ =	shalt  }
0x42: {  	_ =	shalt  }
0x43: {  	_ =	shalt  }
0x44: {  	_ =	shalt  }
0x45: {  	_ =	shalt  }
0x46: {  	_ =	shalt  }
0x47: {  	_ =	shalt  }
0x48: {  	_ =	shalt  }
0x49: {  	_ =	shalt  }
0x4a: {  	_ =	shalt  }
0x4b: {  	_ =	shalt  }
0x4c: {  	_ =	shalt  }
0x4d: {  	_ =	shalt  }
0x4e: {  	_ =	shalt  }
0x4f: {  	_ =	shalt  }
0x50: {  	_ =	shalt  }
0x51: {  	_ =	shalt  }
0x52: {  	_ =	shalt  }
0x53: {  	_ =	shalt  }
0x54: {  	_ =	shalt  }
0x55: {  	_ =	shalt  }
0x56: {  	_ =	shalt  }
0x57: {  	_ =	shalt  }
0x58: {  	_ =	shalt  }
0x59: {  	_ =	shalt  }
0x5a: {  	_ =	shalt  }
0x5b: {  	_ =	shalt  }
0x5c: {  	_ =	shalt  }
0x5d: {  	_ =	shalt  }
0x5e: {  	_ =	shalt  }
0x5f: {  	_ =	shalt  }
0x60: {  	_ =	shalt  }
0x61: {  	_ =	shalt  }
0x62: {  	_ =	shalt  }
0x63: {  	_ =	shalt  }
0x64: {  	_ =	shalt  }
0x65: {  	_ =	shalt  }
0x66: {  	_ =	shalt  }
0x67: {  	_ =	shalt  }
0x68: {  	_ =	shalt  }
0x69: {  	_ =	shalt  }
0x6a: {  	_ =	shalt  }
0x6b: {  	_ =	shalt  }
0x6c: {  	_ =	shalt  }
0x6d: {  	_ =	shalt  }
0x6e: {  	_ =	shalt  }
0x6f: {  	_ =	shalt  }
0x70: {  	_ =	shalt  }
0x71: {  	_ =	shalt  }
0x72: {  	_ =	shalt  }
0x73: {  	_ =	shalt  }
0x74: {  	_ =	shalt  }
0x75: {  	_ =	shalt  }
0x76: {  	_ =	shalt  }
0x77: {  	_ =	shalt  }
0x78: {  	_ =	shalt  }
0x79: {  	_ =	shalt  }
0x7a: {  	_ =	shalt  }
0x7b: {  	_ =	shalt  }
0x7c: {  	_ =	shalt  }
0x7d: {  	_ =	shalt  }
0x7e: {  	_ =	shalt  }
0x7f: {  	_ =	shalt  }
0x80: {  	_ =	shalt  }
0x81: {  	_ =	shalt  }
0x82: {  	_ =	shalt  }
0x83: {  	_ =	shalt  }
0x84: {  	_ =	shalt  }
0x85: {  	_ =	shalt  }
0x86: {  	_ =	shalt  }
0x87: {  	_ =	shalt  }
.Lfunc_end0:
.L_simem_size_0:
called_computation_lowered:
.L_overlay_start_0:
0x88: {  	s2 =	sld [smem:$0x3FD9]  }
0x89: {  	s3 =	sld [smem:$0x3FFE];
	_ =	sdelay $0x1  }
0x8a: {  	s1 =	srdreg.scid  }
0x8b: {  	s0 =	sand.u32 $0x1, s1  }
0x8c: {  	s17 =	sshll.u32 s0, $0xA;
	s2 =	sadd.s32 s3, s2  }
0x8d: {  	s2 =	sadd.s32 s2, s17  }
0x8e: {  	[smem:$0x3FBE] =	sst s2  }
0x8f: {  	_ = 	snop  }
0x90: {  	s2 =	sld [smem:$0x3FC9];
	(tm) =	ssettm $0x1  }
0x91: {  	s18 =	sld [smem:$0x3FFB];
	_ =	sdelay $0x3  }
0x92: {  	_ =	strace s18  }
0x93: {  	s3 =	sld [smem:$0x3FFC];
	_ =	sdelay $0x3  }
0x94: {  	_ =	strace s3  }
0x95: {  	s3 =	sld [smem:$0x3FFD];
	_ =	sdelay $0x3  }
0x96: {  	_ =	strace s3  }
0x97: {  	_ =	strace $0x8FFFFFFF  }
0x98: {  	s19 =	sld [smem:$0x3FDB];
	_ =	sdelay $0x1  }
0x99: {  	s4 =	simm.s32 $_scs_section_size  }
0x9a: {  	s5 =	simm.s32 $_size__tile_overlayer_lowered;
	s6 =	simm.s32 $_tile_overlayer_lowered  }
0x9b: {  	s22 =	simm.s32 $0x1BFF;
	s21 =	sshll.u32 s6, $0x1;
	s3 =	sadd.s32 s4, s19  }
0x9c: {  	s7 =	simm.s32 $0x0;
	s20 =	sshll.u32 s5, $0x1;
	s5 =	sadd.s32 s21, s3  }
0x9d: {  	[timem:s7], [sflag:s22] =	dma.local [hbm:s5], s20  }
0x9e: {  	_ =	swait.ge [sflag:s22], s20  }
0x9f: {  	s4 =	ssub.s32 $0x0, s20;
	[sflag:s22] =	ssyncset.done $0x0  }
0xa0: {  	[sflag:s22] =	ssyncadd.s32 s4;
	_ =	sdelay $0x1  }
0xa1: {  	s23 =	simm.s32 $0x1B8B  }
0xa2: {  	_ =	swait.ge [sflag:s23], $0x1  }
0xa3: {  	[sflag:s23] =	ssyncset.done $0x0  }
0xa4: {  	s25 =	simm.s32 $0x1B8E;
	s24 =	sld [smem:$0x3FFE];
	[sflag:s23] =	ssyncadd.s32 $0xFFFFFFFF  }
0xa5: {  	s26 =	simm.s32 $execute0_lowered;
	[smem:$0x3FD2] =	sst s25  }
0xa6: {  	s5 =	sshll.u32 s26, $0x1;
	_ =	strace $0x80000046;
	[dreg:$0x1] =	wrdreg $0xFFFFFFFF  }
0xa7: {  	s28 =	simm.s32 $_size_execute0_lowered;
	s3 =	sadd.s32 s3, s5;
	[dreg:$0x0] =	wrdreg $0x0  }
0xa8: {  	s5 =	sshll.u32 s28, $0x1;
	[dreg:$0x2] =	wrdreg s3  }
0xa9: {  	[dreg:$0x3] =	wrdreg s5  }
0xaa: {  	[dreg:$0x4] =	wrdreg $0xC0  }
0xab: {  	_ =	task [dreg:s7], $0x5FFFF  }
0xac: {  	[dreg:$0x1] =	wrdreg $0xFFFFFFFF  }
0xad: {  	[dreg:$0x0] =	wrdreg $0x60  }
0xae: {  	[dreg:$0x2] =	wrdreg s2  }
0xaf: {  	[dreg:$0x3] =	wrdreg s24  }
0xb0: {  	[dreg:$0x4] =	wrdreg $0xA8000  }
0xb1: {  	[dreg:$0x5] =	wrdreg $0x9  }
0xb2: {  	_ =	task.clear_ibuf [dreg:s7], $0x6FFFF;
	_ =	strace $0x90000046  }
0xb3: {  	s29 =	simm.s32 $0x9;
	_ =	strace $0x80000048  }
0xb4: {  	_ =	swait.ge [sflag:s29], $0x1  }
0xb5: {  	[sflag:s29] =	ssyncadd.s32 $0xFFFFFFFF  }
0xb6: {  	_ =	strace $0x90000048  }
0xb7: {  	_ =	sfence  }
0xb8: {  	s30 =	sld [smem:$0x0];
	_ =	sdelay $0x2  }
0xb9: {  	s31 =	sshll.u32 s1, $0xD;
	s1 =	sshrl.u32 s1, $0x2  }
0xba: {  	s3 =	sand.u32 $0x4000, s31;
	s1 =	sadd.s32 s1, s30  }
0xbb: {  	s0 =	sor.u32 s3, s0;
	s1 =	sshll.u32 s1, $0x11  }
0xbc: {  	s0 =	sor.u32 s1, s0  }
0xbd: {  	s0 =	sadd.s32 $0x8F2B, s0  }
0xbe: {  	[sflag:s0] =	ssyncadd.remote.s32 $0x1  }
0xbf: {  	_ =	sfence.sel $0xFFFF  }
0xc0: {  	[dreg:$0x0] =	wrdreg $0xFFFFFFFF;
	(pc) =	sbr.abs _section_cstart, $3  }
0xc1: {  	[dreg:$0x1] =	wrdreg $0xFFFFFFFF  }
0xc2: {  	_ =	task.clear_ibuf [dreg:s7], $0x2FFFF;
	_ =	strace $0x9FFFFFFF  }
0xc3: {  	(tm) =	ssettm $0x7FFFFFFF  }
tec
execute0_lowered:
.L_overlay_start_1:
0x0: {  	(tag) =	ssettag $0x1  }
0x1: {  	s1 =	rddreg [dreg:$0x0]  }
0x2: {  	s6 =	rddreg [dreg:$0x1]  }
0x3: {  	s2 =	rddreg [dreg:$0x2]  }
0x4: {  	s0 =	rddreg [dreg:$0x3]  }
0x5: {  	s4 =	simm.s32 $0x0;
	s3 =	srdreg.scid;
	s15 =	simm.s32 $0x2800  }
0x6: {  	s18 =	simm.s32 $0x6800;
	s19 =	simm.s32 $0x1;
	s20 =	simm.s32 $0x2  }
0x7: {  	s21 =	simm.s32 $0x2780;
	s22 =	simm.s32 $0x1300;
	s23 =	simm.s32 $0x1380  }
0x8: {  	s24 =	simm.s32 $0x0;
	[smem:$0x7FF] =	sst s4;
	s7 =	sand.u32 $0x1, s3  }
0x9: {  	s3 =	stileid.u32;
	s10 =	sadd.s32 $0xC000, s6;
	s8 =	smul.u32 $0x13C000, s7  }
0xa: {  	s11 =	sadd.s32 $0x2000, s6;
	_ =	strace $0x80000047;
	s9 =	smul.u32 $0x13C00, s3  }
0xb: {  	s5 =	sshll.u32 s3, $0x1;
	s26 =	smul.u32 $0x4F000, s3;
	s16 =	sshll.u32 s3, $0x6  }
0xc: {  	s12 =	sor.u32 s7, s5;
	s5 =	sadd.s32 $0x16000, s6;
	s7 =	ssub.s32 $0x2, s7  }
0xd: {  	s16 =	sor.u32 $0x1C03, s16;
	s8 =	sadd.s32 s9, s8;
	s25 =	smul.u32 $0x2800, s12  }
0xe: {  	s28 =	sshrl.u32 s7, $0x1;
	s30 =	sshrl.u32 s26, $0x2;
	s12 =	simm.s32 $0x3  }
0xf: {  	s8 =	sshrl.u32 s8, $0x3;
	s14 =	ssub.s32 s7, s28;
	s17 =	sadd.s32 s30, s2  }
0x10: {  	s13 =	sadd.s32 s8, s6;
	s29 =	sshrl.u32 s25, $0x3;
	s17 =	sshrl.u32 s17, $0x3  }
0x11: {  	s6 =	sadd.s32 s10, s29;
	s7 =	sadd.s32 s11, s29;
	s31 =	sadd.s32 $0x280, s29  }
0x12: {  	s8 =	sadd.s32 s10, s31;
	s9 =	sadd.s32 s11, s31;
	s10 =	sadd.s32 $0x18800, s13  }
0x13: {  	s11 =	smax.u32 s14, $0x1;
	s13 =	simm.s32 $0x1400;
	s14 =	simm.s32 $0x7D  }
.LBB2_1:
0x14: {  	[tilespmem:s4], [sflag:$0x3] =	stream.linear.gather [hbm4b:s6+s4], $0x1400, $0x38;
	[tilespmem:$0x1E400] =	vst v63  }
0x15: {  	_ =	swait.ge [sflag:s12], $0x1400  }
0x16: {  	[sflag:s12] =	ssyncset.done $0x0  }
0x17: {  	[sflag:s12] =	ssyncadd.s32 $0xFFFFEC00  }
0x18: {  	[tilespmem:s13], [sflag:$0x3] =	stream.linear.gather [hbm4b:s7+s4], $0x1400, $0x38;
	[tilespmem:$0x1E400] =	vst v63  }
0x19: {  	_ =	swait.ge [sflag:s12], $0x1400  }
0x1a: {  	[sflag:s12] =	ssyncset.done $0x0  }
0x1b: {  	[sflag:s12] =	ssyncadd.s32 $0xFFFFEC00  }
0x1c: {  	[tilespmem:s15], [sflag:$0x1] =	stream.indirect.gather [hbm4b:s1+s14], $0x80, s13, s14, $0xb8;
	[tilespmem:$0x1E400] =	vst v63  }
0x1d: {  	[spmem:s17], [sflag:s16] =	dma.local [hbm:s5], $0x2780  }
0x1e: {  	_ =	swait.ge [sflag:s12], $0x2780  }
0x1f: {  	[sflag:s12] =	ssyncset.done $0x0  }
0x20: {  	[sflag:s12] =	ssyncadd.s32 $0xFFFFD880  }
0x21: {  	s25 =	simm.s32 $0x1480;
	[bflag:$0x0] =	sbarrier.arrive $0xFFFF  }
0x22: {  	[tilespmem:s18], [sflag:$0x2] =	stream.indirect.gather [hbm4b:s1+s14], $0x80, s25, s14, $0xb8;
	[tilespmem:$0x1E400] =	vst v63  }
0x23: {  	_ =	swait.ge [sflag:s19], $0x3E80  }
0x24: {  	[sflag:s19] =	ssyncset.done $0x0  }
0x25: {  	s29 =	simm.s32 $0x0;
	[sflag:s19] =	ssyncadd.s32 $0xFFFFC180  }
0x26: {  	[spmem:s2] =	stream.indirect.scatter.add.f32 [tilespmem:s15], [sflag:$0x3], $0x80, s29, s14, $0xb8;
	[tilespmem:$0x1E400] =	vst v63  }
0x27: {  	_ =	swait.ge [sflag:s12], $0x3E80  }
0x28: {  	[sflag:s12] =	ssyncset.done $0x0  }
0x29: {  	s30 =	simm.s32 $0x1500;
	[sflag:s12] =	ssyncadd.s32 $0xFFFFC180  }
0x2a: {  	[tilespmem:s15], [sflag:$0x1] =	stream.indirect.gather [hbm4b:s1+s14], $0x80, s30, s14, $0xb8;
	[tilespmem:$0x1E400] =	vst v63  }
0x2b: {  	_ =	swait.ge [sflag:s20], $0x3E80  }
0x2c: {  	[sflag:s20] =	ssyncset.done $0x0  }
0x2d: {  	s31 =	simm.s32 $0x80;
	[sflag:s20] =	ssyncadd.s32 $0xFFFFC180  }
0x2e: {  	[spmem:s2] =	stream.indirect.scatter.add.f32 [tilespmem:s18], [sflag:$0x3], $0x80, s31, s14, $0xb8;
	[tilespmem:$0x1E400] =	vst v63  }
0x2f: {  	_ =	swait.ge [sflag:s12], $0x3E80  }
0x30: {  	s26 =	simm.s32 $0x800;
	s25 =	simm.s32 $0x100;
	[sflag:s12] =	ssyncset.done $0x0  }
.LBB2_2:
0x31: {  	s28 =	sadd.s32 $0x1480, s25  }
0x32: {  	[sflag:s12] =	ssyncadd.s32 $0xFFFFC180;
	s29 =	smov.u32 s26;
	s30 =	sadd.s32 $0x400, s26  }
0x33: {  	[tilespmem:s18], [sflag:$0x2] =	stream.indirect.gather [hbm4b:s1+s14], $0x80, s28, s14, $0xb8;
	[tilespmem:$0x1E400] =	vst v63  }
0x34: {  	p0 =	sne.s32 s26, $0x4800;
	_ =	swait.ge [sflag:s19], $0x3E80  }
0x35: {  	[sflag:s19] =	ssyncset.done $0x0  }
0x36: {  	[sflag:s19] =	ssyncadd.s32 $0xFFFFC180  }
0x37: {  	[spmem:s2] =	stream.indirect.scatter.add.f32 [tilespmem:s15], [sflag:$0x3], $0x80, s25, s14, $0xb8;
	[tilespmem:$0x1E400] =	vst v63  }
0x38: {  	_ =	swait.ge [sflag:s12], $0x3E80  }
0x39: {  	[sflag:s12] =	ssyncset.done $0x0  }
0x3a: {  	s26 =	sadd.s32 $0x1500, s25;
	[sflag:s12] =	ssyncadd.s32 $0xFFFFC180  }
0x3b: {  	[tilespmem:s15], [sflag:$0x1] =	stream.indirect.gather [hbm4b:s1+s14], $0x80, s26, s14, $0xb8;
	[tilespmem:$0x1E400] =	vst v63  }
0x3c: {  	_ =	swait.ge [sflag:s20], $0x3E80  }
.Ltmp0:
0x3d: {  	[sflag:s20] =	ssyncset.done $0x0;
	(pc) =	sbr.rel @p0 .LBB2_2-.Ltmp0, $4  }
0x3e: {  	s25 =	sadd.s32 $0x80, s25;
	[sflag:s20] =	ssyncadd.s32 $0xFFFFC180  }
0x3f: {  	[spmem:s2] =	stream.indirect.scatter.add.f32 [tilespmem:s18], [sflag:$0x3], $0x80, s25, s14, $0xb8;
	[tilespmem:$0x1E400] =	vst v63  }
0x40: {  	_ =	swait.ge [sflag:s12], $0x3E80  }
0x41: {  	s26 =	smov.u32 s30;
	s25 =	sshra.s32 s29, $0x2;
	[sflag:s12] =	ssyncset.done $0x0  }
0x42: {  	s26 =	sadd.s32 $0x1480, s25;
	[sflag:s12] =	ssyncadd.s32 $0xFFFFC180  }
0x43: {  	[tilespmem:s18], [sflag:$0x2] =	stream.indirect.gather [hbm4b:s1+s14], $0x80, s26, s14, $0xb8;
	[tilespmem:$0x1E400] =	vst v63  }
0x44: {  	_ =	swait.ge [sflag:s19], $0x3E80  }
0x45: {  	[sflag:s19] =	ssyncset.done $0x0  }
0x46: {  	[sflag:s19] =	ssyncadd.s32 $0xFFFFC180  }
0x47: {  	[spmem:s2] =	stream.indirect.scatter.add.f32 [tilespmem:s15], [sflag:$0x3], $0x80, s25, s14, $0xb8;
	[tilespmem:$0x1E400] =	vst v63  }
0x48: {  	_ =	swait.ge [sflag:s12], $0x3E80  }
0x49: {  	[sflag:s12] =	ssyncset.done $0x0  }
0x4a: {  	s30 =	sadd.s32 $0x1500, s25;
	[sflag:s12] =	ssyncadd.s32 $0xFFFFC180  }
0x4b: {  	[tilespmem:s15], [sflag:$0x1] =	stream.indirect.gather [hbm4b:s1+s14], $0x80, s30, s14, $0xb8;
	[tilespmem:$0x1E400] =	vst v63  }
0x4c: {  	_ =	swait.ge [sflag:s20], $0x3E80  }
0x4d: {  	[sflag:s20] =	ssyncset.done $0x0  }
0x4e: {  	s31 =	sadd.s32 $0x80, s25;
	[sflag:s20] =	ssyncadd.s32 $0xFFFFC180  }
0x4f: {  	[spmem:s2] =	stream.indirect.scatter.add.f32 [tilespmem:s18], [sflag:$0x3], $0x80, s31, s14, $0xb8;
	[tilespmem:$0x1E400] =	vst v63  }
0x50: {  	_ =	swait.ge [sflag:s12], $0x3E80  }
0x51: {  	[sflag:s12] =	ssyncset.done $0x0  }
0x52: {  	[sflag:s12] =	ssyncadd.s32 $0xFFFFC180  }
0x53: {  	[tilespmem:s18], [sflag:$0x2] =	stream.indirect.gather [hbm4b:s1+s14], $0x80, s21, s14, $0xb8;
	[tilespmem:$0x1E400] =	vst v63  }
0x54: {  	_ =	swait.ge [sflag:s19], $0x3E80  }
0x55: {  	[sflag:s19] =	ssyncset.done $0x0  }
0x56: {  	[sflag:s19] =	ssyncadd.s32 $0xFFFFC180  }
0x57: {  	[spmem:s2] =	stream.indirect.scatter.add.f32 [tilespmem:s15], [sflag:$0x3], $0x80, s22, s14, $0xb8;
	[tilespmem:$0x1E400] =	vst v63  }
0x58: {  	_ =	swait.ge [sflag:s12], $0x3E80  }
0x59: {  	[sflag:s12] =	ssyncset.done $0x0  }
0x5a: {  	[sflag:s12] =	ssyncadd.s32 $0xFFFFC180  }
0x5b: {  	_ =	swait.ge [sflag:s20], $0x3E80  }
0x5c: {  	[sflag:s20] =	ssyncset.done $0x0  }
0x5d: {  	[sflag:s20] =	ssyncadd.s32 $0xFFFFC180  }
0x5e: {  	[spmem:s2] =	stream.indirect.scatter.add.f32 [tilespmem:s18], [sflag:$0x3], $0x80, s23, s14, $0xb8;
	[tilespmem:$0x1E400] =	vst v63  }
0x5f: {  	_ =	swait.ge [sflag:s12], $0x3E80  }
0x60: {  	[sflag:s12] =	ssyncset.done $0x0  }
0x61: {  	s26 =	simm.s32 $0x0;
	[sflag:s12] =	ssyncadd.s32 $0xFFFFC180  }
0x62: {  	[tilespmem:s26], [sflag:$0x3] =	stream.linear.gather [hbm4b:s8+s26], $0x1400, $0x38;
	[tilespmem:$0x1E400] =	vst v63  }
0x63: {  	_ =	swait.ge [sflag:s12], $0x1400  }
0x64: {  	[sflag:s12] =	ssyncset.done $0x0  }
0x65: {  	[sflag:s12] =	ssyncadd.s32 $0xFFFFEC00  }
0x66: {  	[tilespmem:s13], [sflag:$0x3] =	stream.linear.gather [hbm4b:s9+s26], $0x1400, $0x38;
	[tilespmem:$0x1E400] =	vst v63  }
0x67: {  	_ =	swait.ge [sflag:s12], $0x1400  }
0x68: {  	[sflag:s12] =	ssyncset.done $0x0  }
0x69: {  	[sflag:s12] =	ssyncadd.s32 $0xFFFFEC00  }
0x6a: {  	[tilespmem:s15], [sflag:$0x1] =	stream.indirect.gather [hbm4b:s1+s14], $0x80, s13, s14, $0xb8;
	[tilespmem:$0x1E400] =	vst v63  }
0x6b: {  	s28 =	simm.s32 $0x1480  }
0x6c: {  	[tilespmem:s18], [sflag:$0x2] =	stream.indirect.gather [hbm4b:s1+s14], $0x80, s28, s14, $0xb8;
	[tilespmem:$0x1E400] =	vst v63  }
0x6d: {  	_ =	swait.ge [sflag:s19], $0x3E80  }
0x6e: {  	[sflag:s19] =	ssyncset.done $0x0  }
0x6f: {  	s29 =	simm.s32 $0x0;
	[sflag:s19] =	ssyncadd.s32 $0xFFFFC180  }
0x70: {  	[spmem:s2] =	stream.indirect.scatter.add.f32 [tilespmem:s15], [sflag:$0x3], $0x80, s29, s14, $0xb8;
	[tilespmem:$0x1E400] =	vst v63  }
0x71: {  	_ =	swait.ge [sflag:s12], $0x3E80  }
0x72: {  	[sflag:s12] =	ssyncset.done $0x0  }
0x73: {  	s30 =	simm.s32 $0x1500;
	[sflag:s12] =	ssyncadd.s32 $0xFFFFC180  }
0x74: {  	[tilespmem:s15], [sflag:$0x1] =	stream.indirect.gather [hbm4b:s1+s14], $0x80, s30, s14, $0xb8;
	[tilespmem:$0x1E400] =	vst v63  }
0x75: {  	_ =	swait.ge [sflag:s20], $0x3E80  }
0x76: {  	[sflag:s20] =	ssyncset.done $0x0  }
0x77: {  	s31 =	simm.s32 $0x80;
	[sflag:s20] =	ssyncadd.s32 $0xFFFFC180  }
0x78: {  	[spmem:s2] =	stream.indirect.scatter.add.f32 [tilespmem:s18], [sflag:$0x3], $0x80, s31, s14, $0xb8;
	[tilespmem:$0x1E400] =	vst v63  }
0x79: {  	_ =	swait.ge [sflag:s12], $0x3E80  }
0x7a: {  	s25 =	simm.s32 $0x100;
	s26 =	simm.s32 $0x800;
	[sflag:s12] =	ssyncset.done $0x0  }
.LBB2_4:
0x7b: {  	s28 =	sadd.s32 $0x1480, s25  }
0x7c: {  	[sflag:s12] =	ssyncadd.s32 $0xFFFFC180;
	s29 =	smov.u32 s26;
	s30 =	sadd.s32 $0x400, s26  }
0x7d: {  	[tilespmem:s18], [sflag:$0x2] =	stream.indirect.gather [hbm4b:s1+s14], $0x80, s28, s14, $0xb8;
	[tilespmem:$0x1E400] =	vst v63  }
0x7e: {  	p0 =	sne.s32 s26, $0x4800;
	_ =	swait.ge [sflag:s19], $0x3E80  }
0x7f: {  	[sflag:s19] =	ssyncset.done $0x0  }
0x80: {  	[sflag:s19] =	ssyncadd.s32 $0xFFFFC180  }
0x81: {  	[spmem:s2] =	stream.indirect.scatter.add.f32 [tilespmem:s15], [sflag:$0x3], $0x80, s25, s14, $0xb8;
	[tilespmem:$0x1E400] =	vst v63  }
0x82: {  	_ =	swait.ge [sflag:s12], $0x3E80  }
0x83: {  	[sflag:s12] =	ssyncset.done $0x0  }
0x84: {  	s26 =	sadd.s32 $0x1500, s25;
	[sflag:s12] =	ssyncadd.s32 $0xFFFFC180  }
0x85: {  	[tilespmem:s15], [sflag:$0x1] =	stream.indirect.gather [hbm4b:s1+s14], $0x80, s26, s14, $0xb8;
	[tilespmem:$0x1E400] =	vst v63  }
0x86: {  	_ =	swait.ge [sflag:s20], $0x3E80  }
.Ltmp1:
0x87: {  	[sflag:s20] =	ssyncset.done $0x0;
	(pc) =	sbr.rel @p0 .LBB2_4-.Ltmp1, $4  }
0x88: {  	s25 =	sadd.s32 $0x80, s25;
	[sflag:s20] =	ssyncadd.s32 $0xFFFFC180  }
0x89: {  	[spmem:s2] =	stream.indirect.scatter.add.f32 [tilespmem:s18], [sflag:$0x3], $0x80, s25, s14, $0xb8;
	[tilespmem:$0x1E400] =	vst v63  }
0x8a: {  	_ =	swait.ge [sflag:s12], $0x3E80  }
0x8b: {  	s26 =	smov.u32 s30;
	s25 =	sshra.s32 s29, $0x2;
	[sflag:s12] =	ssyncset.done $0x0  }
0x8c: {  	s26 =	sadd.s32 $0x1480, s25;
	[sflag:s12] =	ssyncadd.s32 $0xFFFFC180  }
0x8d: {  	[tilespmem:s18], [sflag:$0x2] =	stream.indirect.gather [hbm4b:s1+s14], $0x80, s26, s14, $0xb8;
	[tilespmem:$0x1E400] =	vst v63  }
0x8e: {  	_ =	swait.ge [sflag:s19], $0x3E80  }
0x8f: {  	[sflag:s19] =	ssyncset.done $0x0  }
0x90: {  	[sflag:s19] =	ssyncadd.s32 $0xFFFFC180  }
0x91: {  	[spmem:s2] =	stream.indirect.scatter.add.f32 [tilespmem:s15], [sflag:$0x3], $0x80, s25, s14, $0xb8;
	[tilespmem:$0x1E400] =	vst v63  }
0x92: {  	_ =	swait.ge [sflag:s12], $0x3E80  }
0x93: {  	[sflag:s12] =	ssyncset.done $0x0  }
0x94: {  	s30 =	sadd.s32 $0x1500, s25;
	[sflag:s12] =	ssyncadd.s32 $0xFFFFC180  }
0x95: {  	[tilespmem:s15], [sflag:$0x1] =	stream.indirect.gather [hbm4b:s1+s14], $0x80, s30, s14, $0xb8;
	[tilespmem:$0x1E400] =	vst v63  }
0x96: {  	_ =	swait.ge [sflag:s20], $0x3E80  }
0x97: {  	[sflag:s20] =	ssyncset.done $0x0  }
0x98: {  	s31 =	sadd.s32 $0x80, s25;
	[sflag:s20] =	ssyncadd.s32 $0xFFFFC180  }
0x99: {  	[spmem:s2] =	stream.indirect.scatter.add.f32 [tilespmem:s18], [sflag:$0x3], $0x80, s31, s14, $0xb8;
	[tilespmem:$0x1E400] =	vst v63  }
0x9a: {  	_ =	swait.ge [sflag:s12], $0x3E80  }
0x9b: {  	[sflag:s12] =	ssyncset.done $0x0  }
0x9c: {  	[sflag:s12] =	ssyncadd.s32 $0xFFFFC180  }
0x9d: {  	[tilespmem:s18], [sflag:$0x2] =	stream.indirect.gather [hbm4b:s1+s14], $0x80, s21, s14, $0xb8;
	[tilespmem:$0x1E400] =	vst v63  }
0x9e: {  	_ =	swait.ge [sflag:s19], $0x3E80  }
0x9f: {  	[sflag:s19] =	ssyncset.done $0x0  }
0xa0: {  	[sflag:s19] =	ssyncadd.s32 $0xFFFFC180  }
0xa1: {  	[spmem:s2] =	stream.indirect.scatter.add.f32 [tilespmem:s15], [sflag:$0x3], $0x80, s22, s14, $0xb8;
	[tilespmem:$0x1E400] =	vst v63  }
0xa2: {  	_ =	swait.ge [sflag:s12], $0x3E80  }
0xa3: {  	[sflag:s12] =	ssyncset.done $0x0  }
0xa4: {  	[sflag:s12] =	ssyncadd.s32 $0xFFFFC180  }
0xa5: {  	_ =	swait.ge [sflag:s20], $0x3E80  }
0xa6: {  	[sflag:s20] =	ssyncset.done $0x0  }
0xa7: {  	[sflag:s20] =	ssyncadd.s32 $0xFFFFC180  }
0xa8: {  	[spmem:s2] =	stream.indirect.scatter.add.f32 [tilespmem:s18], [sflag:$0x3], $0x80, s23, s14, $0xb8;
	[tilespmem:$0x1E400] =	vst v63  }
0xa9: {  	_ =	swait.ge [sflag:s12], $0x3E80  }
0xaa: {  	s24 =	sadd.s32 $0x1, s24;
	[sflag:s12] =	ssyncset.done $0x0  }
0xab: {  	p0 =	sne.s32 s24, s11;
	[sflag:s12] =	ssyncadd.s32 $0xFFFFC180  }
.Ltmp2:
0xac: {  	[bflag:$0x0] =	sbarrier.arrive $0xFFFF;
	(pc) =	sbr.rel @p0 .LBB2_1-.Ltmp2, $4  }
0xad: {  	[hbm:s10], [sflag:s16] =	dma.local [spmem:s17], $0x2780  }
0xae: {  	_ =	swait.ge [sflag:s12], $0x2780  }
0xaf: {  	[sflag:s12] =	ssyncset.done $0x0  }
0xb0: {  	[sflag:s12] =	ssyncadd.s32 $0xFFFFD880  }
0xb1: {  	_ =	sfence.sel $0x180000  }
0xb2: {  	[bflag:$0x0] =	sbarrier.arrive $0xFFFF  }
0xb3: {  	p0 =	sne.s32 s3, $0x0;
	_ =	strace $0x90000047  }
0xb4: {  	s0 =	sadd.s32 @!p0 $0x100000, s0;
	[bflag:$0x2] =	sbarrier.arrive $0xFFFF  }
0xb5: {  	[sflag:s0] =	ssyncadd.tile.s32 @!p0 $0x1;
	_ =	shalt  }
.Lfunc_end2:
_tile_overlayer_lowered:
.L_overlay_start_2:
0xb6: {  	(tag) =	ssettag $0x2  }
0xb7: {  	s0 =	rddreg [dreg:$0x0];
	s2 =	stileid.u32  }
0xb8: {  	s1 =	rddreg [dreg:$0x1];
	p0 =	sne.s32 s2, $0x0  }
0xb9: {  	s3 =	rddreg [dreg:$0x2];
	[bflag:$0x3] =	sbarrier.arrive $0xFFFF;
	s2 =	simm.s32 @!p0 $0x1C03  }
0xba: {  	[timem:s3], [sflag:s2] =	dma.local @!p0 [hbm:s0], s1  }
0xbb: {  	s0 =	simm.s32 @!p0 $0x3  }
0xbc: {  	_ =	swait.ge @!p0 [sflag:s0], s1  }
0xbd: {  	s1 =	ssub.s32 @!p0 $0x0, s1;
	[sflag:s0] =	ssyncset.done @!p0 $0x0  }
0xbe: {  	[sflag:s0] =	ssyncadd.s32 @!p0 s1  }
0xbf: {  	[bflag:$0x3] =	sbarrier.arrive $0xFFFF  }
0xc0: {  	_ =	shalt  }

// kernel: kernel.9.cloned.1.call-start
scs
__scs_entry_jumppad:
0x0: {  	(pc) =	sbr.rel $0x88, $3  }
0x1: {  	(tag) =	ssettag $0x0;
	lr =	simm.s32 $0x1  }
0x2: {  	[smem:$0x3F97] =	sst lr;
	_ =	strace $0xD0000000  }
0x3: {  	_ = 	snop  }
0x4: {  	_ = 	snop  }
0x5: {  	_ = 	snop  }
0x6: {  	_ = 	snop  }
0x7: {  	_ = 	snop  }
__scs_overlays_trampoline_lowered:
0x8: {  	[smem:$0x3FA6] =	sst s0  }
0x9: {  	[smem:$0x3FA7] =	sst s1  }
0xa: {  	[smem:$0x3FA8] =	sst s2  }
0xb: {  	[smem:$0x3FA9] =	sst s3  }
0xc: {  	[smem:$0x3FAA] =	sst s4  }
0xd: {  	[smem:$0x3FAB] =	sst s5  }
0xe: {  	[smem:$0x3FAC] =	sst s6  }
0xf: {  	[smem:$0x3FAD] =	sst s7  }
0x10: {  	[smem:$0x3FAE] =	sst s8  }
0x11: {  	[smem:$0x3FAF] =	sst s9;
	s0 =	simm.s32 @!p0 $0x0  }
0x12: {  	s1 =	sld [smem:$0x3F95];
	s0 =	simm.s32 @p0 $0x1  }
0x13: {  	[smem:$0x3FB0] =	sst s0;
	s0 =	simm.s32 @!p1 $0x0  }
0x14: {  	s2 =	sld [smem:$0x3F94];
	s0 =	simm.s32 @p1 $0x1  }
0x15: {  	[smem:$0x3FB1] =	sst s0;
	s0 =	simm.s32 @!p2 $0x0  }
0x16: {  	s3 =	sld [smem:$0x3FDB];
	s0 =	simm.s32 @p2 $0x1  }
0x17: {  	s4 =	simm.s32 $0x1BF5;
	[smem:$0x3FB3] =	sst s0  }
0x18: {  	s0 =	sld [smem:$0x3F96];
	_ =	swait.ge [sflag:s4], $0x0  }
0x19: {  	s7 =	sld [smem:$0x3F97]  }
0x1a: {  	s8 =	sadd.s32 $0xFFFFE003, lr  }
0x1b: {  	s9 =	sadd.s32 $0xFFFFFEF7, lr;
	s5 =	simm.s32 $0xFFFFFFFF;
	p2 =	slt.u32 s8, $0xFFFFF086  }
0x1c: {  	p1 =	slt.u32 s9, $0xF7A;
	s5 =	simm.s32 @!p2 $0x0  }
0x1d: {  	s5 =	simm.s32 @p1 $0x1;
	p0 =	seq.s32 s7, s2  }
0x1e: {  	s7 =	smul.u32 @!p0 $0xF7A, s2;
	p2 =	seq.s32 @!p0 s5, $0x0  }
0x1f: {  	s9 =	smul.u32 $0xF7A, s1;
	s8 =	simm.s32 @!p0 $0x1BF5;
	p2 =	por !p2, p0  }
0x20: {  	[sflag:s8] =	ssyncset.s32 @!p0 $0xFFFFF086;
	s6 =	sadd.s32 @!p0 s3, s7;
	s7 =	simm.s32 @!p0 $0x108  }
0x21: {  	s3 =	sadd.s32 s3, s9;
	s6 =	sadd.s32 @!p0 $0x88, s6;
	s7 =	simm.s32 @p2 $0x1082  }
0x22: {  	[simem:s7], [sflag:s8] =	dma.local @!p0 [hbm:s6], $0xF7A  }
0x23: {  	s9 =	sor.u32 $0xD0000000, s2;
	s6 =	simm.s32 $0x108;
	_ =	swait.ge @!p0 [sflag:s8], $0x0  }
0x24: {  	s3 =	sadd.s32 $0x88, s3;
	s6 =	simm.s32 @!p1 $0x1082;
	[sflag:s4] =	ssyncset.s32 $0xFFFFF086  }
0x25: {  	[simem:s6], [sflag:s4] =	dma.local [hbm:s3], $0xF7A  }
0x26: {  	[smem:$0x3F97] =	sst s1;
	(tag) =	ssettag s2;
	_ =	strace s9  }
0x27: {  	s1 =	sld [smem:$0x3FA7]  }
0x28: {  	s2 =	sld [smem:$0x3FA8]  }
0x29: {  	s4 =	sld [smem:$0x3FAA]  }
0x2a: {  	p0 =	seq.s32 s5, $0x0;
	s5 =	sld [smem:$0x3FAB]  }
0x2b: {  	s6 =	sld [smem:$0x3FAC]  }
0x2c: {  	s7 =	sld [smem:$0x3FAD]  }
0x2d: {  	s3 =	simm.s32 $0x108;
	s8 =	sld [smem:$0x3FAE]  }
0x2e: {  	s3 =	simm.s32 @!p0 $0x1082;
	s9 =	sld [smem:$0x3FAF]  }
0x2f: {  	lr =	sadd.s32 s0, s3;
	s0 =	sld [smem:$0x3FA6]  }
0x30: {  	s3 =	sld [smem:$0x3FA9]  }
0x31: {  	[smem:$0x3FB2] =	sst s10  }
0x32: {  	s10 =	sld [smem:$0x3FB0];
	_ =	sdelay $0x3  }
0x33: {  	p0 =	seq.s32 s10, $0x1;
	s10 =	sld [smem:$0x3FB2];
	_ =	sdelay $0x3  }
0x34: {  	[smem:$0x3FB2] =	sst s10  }
0x35: {  	s10 =	sld [smem:$0x3FB1];
	_ =	sdelay $0x3  }
0x36: {  	p1 =	seq.s32 s10, $0x1;
	s10 =	sld [smem:$0x3FB2];
	_ =	sdelay $0x3  }
0x37: {  	[smem:$0x3FB2] =	sst s10  }
0x38: {  	s10 =	sld [smem:$0x3FB3]  }
0x39: {  	_ = 	snop;
	(pc) =	sbr.ind lr, $3  }
0x3a: {  	_ = 	snop  }
0x3b: {  	_ = 	snop  }
0x3c: {  	p2 =	seq.s32 s10, $0x1;
	s10 =	sld [smem:$0x3FB2]  }
0x3d: {  	_ =	shalt  }
0x3e: {  	_ =	shalt  }
0x3f: {  	_ =	shalt  }
0x40: {  	_ =	shalt  }
0x41: {  	_ =	shalt  }
0x42: {  	_ =	shalt  }
0x43: {  	_ =	shalt  }
0x44: {  	_ =	shalt  }
0x45: {  	_ =	shalt  }
0x46: {  	_ =	shalt  }
0x47: {  	_ =	shalt  }
0x48: {  	_ =	shalt  }
0x49: {  	_ =	shalt  }
0x4a: {  	_ =	shalt  }
0x4b: {  	_ =	shalt  }
0x4c: {  	_ =	shalt  }
0x4d: {  	_ =	shalt  }
0x4e: {  	_ =	shalt  }
0x4f: {  	_ =	shalt  }
0x50: {  	_ =	shalt  }
0x51: {  	_ =	shalt  }
0x52: {  	_ =	shalt  }
0x53: {  	_ =	shalt  }
0x54: {  	_ =	shalt  }
0x55: {  	_ =	shalt  }
0x56: {  	_ =	shalt  }
0x57: {  	_ =	shalt  }
0x58: {  	_ =	shalt  }
0x59: {  	_ =	shalt  }
0x5a: {  	_ =	shalt  }
0x5b: {  	_ =	shalt  }
0x5c: {  	_ =	shalt  }
0x5d: {  	_ =	shalt  }
0x5e: {  	_ =	shalt  }
0x5f: {  	_ =	shalt  }
0x60: {  	_ =	shalt  }
0x61: {  	_ =	shalt  }
0x62: {  	_ =	shalt  }
0x63: {  	_ =	shalt  }
0x64: {  	_ =	shalt  }
0x65: {  	_ =	shalt  }
0x66: {  	_ =	shalt  }
0x67: {  	_ =	shalt  }
0x68: {  	_ =	shalt  }
0x69: {  	_ =	shalt  }
0x6a: {  	_ =	shalt  }
0x6b: {  	_ =	shalt  }
0x6c: {  	_ =	shalt  }
0x6d: {  	_ =	shalt  }
0x6e: {  	_ =	shalt  }
0x6f: {  	_ =	shalt  }
0x70: {  	_ =	shalt  }
0x71: {  	_ =	shalt  }
0x72: {  	_ =	shalt  }
0x73: {  	_ =	shalt  }
0x74: {  	_ =	shalt  }
0x75: {  	_ =	shalt  }
0x76: {  	_ =	shalt  }
0x77: {  	_ =	shalt  }
0x78: {  	_ =	shalt  }
0x79: {  	_ =	shalt  }
0x7a: {  	_ =	shalt  }
0x7b: {  	_ =	shalt  }
0x7c: {  	_ =	shalt  }
0x7d: {  	_ =	shalt  }
0x7e: {  	_ =	shalt  }
0x7f: {  	_ =	shalt  }
0x80: {  	_ =	shalt  }
0x81: {  	_ =	shalt  }
0x82: {  	_ =	shalt  }
0x83: {  	_ =	shalt  }
0x84: {  	_ =	shalt  }
0x85: {  	_ =	shalt  }
0x86: {  	_ =	shalt  }
0x87: {  	_ =	shalt  }
.Lfunc_end0:
.L_simem_size_0:
called_computation.1_lowered:
.L_overlay_start_0:
0x88: {  	s2 =	sld [smem:$0x3FD9]  }
0x89: {  	s3 =	sld [smem:$0x3FFE];
	_ =	sdelay $0x1  }
0x8a: {  	s1 =	srdreg.scid  }
0x8b: {  	s0 =	sand.u32 $0x1, s1  }
0x8c: {  	s17 =	sshll.u32 s0, $0xA;
	s2 =	sadd.s32 s3, s2  }
0x8d: {  	s2 =	sadd.s32 s2, s17  }
0x8e: {  	[smem:$0x3FBE] =	sst s2  }
0x8f: {  	_ = 	snop  }
0x90: {  	s2 =	sld [smem:$0x3FD0];
	(tm) =	ssettm $0x1  }
0x91: {  	s18 =	sld [smem:$0x3FFB];
	_ =	sdelay $0x3  }
0x92: {  	_ =	strace s18  }
0x93: {  	s3 =	sld [smem:$0x3FFC];
	_ =	sdelay $0x3  }
0x94: {  	_ =	strace s3  }
0x95: {  	s3 =	sld [smem:$0x3FFD];
	_ =	sdelay $0x3  }
0x96: {  	_ =	strace s3  }
0x97: {  	_ =	strace $0x8FFFFFFF  }
0x98: {  	s19 =	sld [smem:$0x3FDB];
	_ =	sdelay $0x1  }
0x99: {  	s4 =	simm.s32 $_scs_section_size  }
0x9a: {  	s5 =	simm.s32 $_size__tile_overlayer_lowered;
	s6 =	simm.s32 $_tile_overlayer_lowered  }
0x9b: {  	s22 =	simm.s32 $0x1BFF;
	s21 =	sshll.u32 s6, $0x1;
	s3 =	sadd.s32 s4, s19  }
0x9c: {  	s7 =	simm.s32 $0x0;
	s20 =	sshll.u32 s5, $0x1;
	s5 =	sadd.s32 s21, s3  }
0x9d: {  	[timem:s7], [sflag:s22] =	dma.local [hbm:s5], s20  }
0x9e: {  	_ =	swait.ge [sflag:s22], s20  }
0x9f: {  	s4 =	ssub.s32 $0x0, s20;
	[sflag:s22] =	ssyncset.done $0x0  }
0xa0: {  	[sflag:s22] =	ssyncadd.s32 s4;
	_ =	sdelay $0x1  }
0xa1: {  	s23 =	simm.s32 $0x1B8B  }
0xa2: {  	_ =	swait.ge [sflag:s23], $0x1  }
0xa3: {  	[sflag:s23] =	ssyncset.done $0x0  }
0xa4: {  	s25 =	simm.s32 $0x1B8E;
	s24 =	sld [smem:$0x3FFE];
	[sflag:s23] =	ssyncadd.s32 $0xFFFFFFFF  }
0xa5: {  	s26 =	simm.s32 $execute0_lowered;
	[smem:$0x3FD2] =	sst s25  }
0xa6: {  	s5 =	sshll.u32 s26, $0x1;
	_ =	strace $0x80000049;
	[dreg:$0x1] =	wrdreg $0xFFFFFFFF  }
0xa7: {  	s28 =	simm.s32 $_size_execute0_lowered;
	s3 =	sadd.s32 s3, s5;
	[dreg:$0x0] =	wrdreg $0x0  }
0xa8: {  	s5 =	sshll.u32 s28, $0x1;
	[dreg:$0x2] =	wrdreg s3  }
0xa9: {  	[dreg:$0x3] =	wrdreg s5  }
0xaa: {  	[dreg:$0x4] =	wrdreg $0xC0  }
0xab: {  	_ =	task [dreg:s7], $0x5FFFF  }
0xac: {  	[dreg:$0x1] =	wrdreg $0xFFFFFFFF  }
0xad: {  	[dreg:$0x0] =	wrdreg $0x60  }
0xae: {  	[dreg:$0x2] =	wrdreg s2  }
0xaf: {  	[dreg:$0x3] =	wrdreg s24  }
0xb0: {  	[dreg:$0x4] =	wrdreg $0xA8000  }
0xb1: {  	[dreg:$0x5] =	wrdreg $0x9  }
0xb2: {  	_ =	task.clear_ibuf [dreg:s7], $0x6FFFF;
	_ =	strace $0x90000049  }
0xb3: {  	s29 =	simm.s32 $0x9;
	_ =	strace $0x8000004B  }
0xb4: {  	_ =	swait.ge [sflag:s29], $0x1  }
0xb5: {  	[sflag:s29] =	ssyncadd.s32 $0xFFFFFFFF  }
0xb6: {  	_ =	strace $0x9000004B  }
0xb7: {  	_ =	sfence  }
0xb8: {  	s30 =	sld [smem:$0x0];
	_ =	sdelay $0x2  }
0xb9: {  	s31 =	sshll.u32 s1, $0xD;
	s1 =	sshrl.u32 s1, $0x2  }
0xba: {  	s3 =	sand.u32 $0x4000, s31;
	s1 =	sadd.s32 s1, s30  }
0xbb: {  	s0 =	sor.u32 s3, s0;
	s1 =	sshll.u32 s1, $0x11  }
0xbc: {  	s0 =	sor.u32 s1, s0  }
0xbd: {  	s0 =	sadd.s32 $0x8F2B, s0  }
0xbe: {  	[sflag:s0] =	ssyncadd.remote.s32 $0x1  }
0xbf: {  	_ =	sfence.sel $0xFFFF  }
0xc0: {  	[dreg:$0x0] =	wrdreg $0xFFFFFFFF;
	(pc) =	sbr.abs _section_cstart, $3  }
0xc1: {  	[dreg:$0x1] =	wrdreg $0xFFFFFFFF  }
0xc2: {  	_ =	task.clear_ibuf [dreg:s7], $0x2FFFF;
	_ =	strace $0x9FFFFFFF  }
0xc3: {  	(tm) =	ssettm $0x7FFFFFFF  }
tec
execute0_lowered:
.L_overlay_start_1:
0x0: {  	(tag) =	ssettag $0x1  }
0x1: {  	s1 =	rddreg [dreg:$0x0]  }
0x2: {  	s6 =	rddreg [dreg:$0x1]  }
0x3: {  	s2 =	rddreg [dreg:$0x2]  }
0x4: {  	s0 =	rddreg [dreg:$0x3]  }
0x5: {  	s4 =	simm.s32 $0x0;
	s3 =	srdreg.scid;
	s15 =	simm.s32 $0x2800  }
0x6: {  	s18 =	simm.s32 $0x6800;
	s19 =	simm.s32 $0x1;
	s20 =	simm.s32 $0x2  }
0x7: {  	s21 =	simm.s32 $0x2780;
	s22 =	simm.s32 $0x1300;
	s23 =	simm.s32 $0x1380  }
0x8: {  	s24 =	simm.s32 $0x0;
	[smem:$0x7FF] =	sst s4;
	s7 =	sand.u32 $0x1, s3  }
0x9: {  	s3 =	stileid.u32;
	s10 =	sadd.s32 $0xC000, s6;
	s8 =	smul.u32 $0x13C000, s7  }
0xa: {  	s11 =	sadd.s32 $0x2000, s6;
	_ =	strace $0x8000004A;
	s9 =	smul.u32 $0x13C00, s3  }
0xb: {  	s5 =	sshll.u32 s3, $0x1;
	s26 =	smul.u32 $0x4F000, s3;
	s16 =	sshll.u32 s3, $0x6  }
0xc: {  	s12 =	sor.u32 s7, s5;
	s5 =	sadd.s32 $0x16000, s6;
	s7 =	ssub.s32 $0x2, s7  }
0xd: {  	s16 =	sor.u32 $0x1C03, s16;
	s8 =	sadd.s32 s9, s8;
	s25 =	smul.u32 $0x2800, s12  }
0xe: {  	s28 =	sshrl.u32 s7, $0x1;
	s30 =	sshrl.u32 s26, $0x2;
	s12 =	simm.s32 $0x3  }
0xf: {  	s8 =	sshrl.u32 s8, $0x3;
	s14 =	ssub.s32 s7, s28;
	s17 =	sadd.s32 s30, s2  }
0x10: {  	s13 =	sadd.s32 s8, s6;
	s29 =	sshrl.u32 s25, $0x3;
	s17 =	sshrl.u32 s17, $0x3  }
0x11: {  	s6 =	sadd.s32 s10, s29;
	s7 =	sadd.s32 s11, s29;
	s31 =	sadd.s32 $0x280, s29  }
0x12: {  	s8 =	sadd.s32 s10, s31;
	s9 =	sadd.s32 s11, s31;
	s10 =	sadd.s32 $0x18800, s13  }
0x13: {  	s11 =	smax.u32 s14, $0x1;
	s13 =	simm.s32 $0x1400;
	s14 =	simm.s32 $0x7D  }
.LBB2_1:
0x14: {  	[tilespmem:s4], [sflag:$0x3] =	stream.linear.gather [hbm4b:s6+s4], $0x1400, $0x38;
	[tilespmem:$0x1E400] =	vst v63  }
0x15: {  	_ =	swait.ge [sflag:s12], $0x1400  }
0x16: {  	[sflag:s12] =	ssyncset.done $0x0  }
0x17: {  	[sflag:s12] =	ssyncadd.s32 $0xFFFFEC00  }
0x18: {  	[tilespmem:s13], [sflag:$0x3] =	stream.linear.gather [hbm4b:s7+s4], $0x1400, $0x38;
	[tilespmem:$0x1E400] =	vst v63  }
0x19: {  	_ =	swait.ge [sflag:s12], $0x1400  }
0x1a: {  	[sflag:s12] =	ssyncset.done $0x0  }
0x1b: {  	[sflag:s12] =	ssyncadd.s32 $0xFFFFEC00  }
0x1c: {  	[tilespmem:s15], [sflag:$0x1] =	stream.indirect.gather [hbm4b:s1+s14], $0x80, s13, s14, $0xb8;
	[tilespmem:$0x1E400] =	vst v63  }
0x1d: {  	[spmem:s17], [sflag:s16] =	dma.local [hbm:s5], $0x2780  }
0x1e: {  	_ =	swait.ge [sflag:s12], $0x2780  }
0x1f: {  	[sflag:s12] =	ssyncset.done $0x0  }
0x20: {  	[sflag:s12] =	ssyncadd.s32 $0xFFFFD880  }
0x21: {  	s25 =	simm.s32 $0x1480;
	[bflag:$0x0] =	sbarrier.arrive $0xFFFF  }
0x22: {  	[tilespmem:s18], [sflag:$0x2] =	stream.indirect.gather [hbm4b:s1+s14], $0x80, s25, s14, $0xb8;
	[tilespmem:$0x1E400] =	vst v63  }
0x23: {  	_ =	swait.ge [sflag:s19], $0x3E80  }
0x24: {  	[sflag:s19] =	ssyncset.done $0x0  }
0x25: {  	s29 =	simm.s32 $0x0;
	[sflag:s19] =	ssyncadd.s32 $0xFFFFC180  }
0x26: {  	[spmem:s2] =	stream.indirect.scatter.add.f32 [tilespmem:s15], [sflag:$0x3], $0x80, s29, s14, $0xb8;
	[tilespmem:$0x1E400] =	vst v63  }
0x27: {  	_ =	swait.ge [sflag:s12], $0x3E80  }
0x28: {  	[sflag:s12] =	ssyncset.done $0x0  }
0x29: {  	s30 =	simm.s32 $0x1500;
	[sflag:s12] =	ssyncadd.s32 $0xFFFFC180  }
0x2a: {  	[tilespmem:s15], [sflag:$0x1] =	stream.indirect.gather [hbm4b:s1+s14], $0x80, s30, s14, $0xb8;
	[tilespmem:$0x1E400] =	vst v63  }
0x2b: {  	_ =	swait.ge [sflag:s20], $0x3E80  }
0x2c: {  	[sflag:s20] =	ssyncset.done $0x0  }
0x2d: {  	s31 =	simm.s32 $0x80;
	[sflag:s20] =	ssyncadd.s32 $0xFFFFC180  }
0x2e: {  	[spmem:s2] =	stream.indirect.scatter.add.f32 [tilespmem:s18], [sflag:$0x3], $0x80, s31, s14, $0xb8;
	[tilespmem:$0x1E400] =	vst v63  }
0x2f: {  	_ =	swait.ge [sflag:s12], $0x3E80  }
0x30: {  	s26 =	simm.s32 $0x800;
	s25 =	simm.s32 $0x100;
	[sflag:s12] =	ssyncset.done $0x0  }
.LBB2_2:
0x31: {  	s28 =	sadd.s32 $0x1480, s25  }
0x32: {  	[sflag:s12] =	ssyncadd.s32 $0xFFFFC180;
	s29 =	smov.u32 s26;
	s30 =	sadd.s32 $0x400, s26  }
0x33: {  	[tilespmem:s18], [sflag:$0x2] =	stream.indirect.gather [hbm4b:s1+s14], $0x80, s28, s14, $0xb8;
	[tilespmem:$0x1E400] =	vst v63  }
0x34: {  	p0 =	sne.s32 s26, $0x4800;
	_ =	swait.ge [sflag:s19], $0x3E80  }
0x35: {  	[sflag:s19] =	ssyncset.done $0x0  }
0x36: {  	[sflag:s19] =	ssyncadd.s32 $0xFFFFC180  }
0x37: {  	[spmem:s2] =	stream.indirect.scatter.add.f32 [tilespmem:s15], [sflag:$0x3], $0x80, s25, s14, $0xb8;
	[tilespmem:$0x1E400] =	vst v63  }
0x38: {  	_ =	swait.ge [sflag:s12], $0x3E80  }
0x39: {  	[sflag:s12] =	ssyncset.done $0x0  }
0x3a: {  	s26 =	sadd.s32 $0x1500, s25;
	[sflag:s12] =	ssyncadd.s32 $0xFFFFC180  }
0x3b: {  	[tilespmem:s15], [sflag:$0x1] =	stream.indirect.gather [hbm4b:s1+s14], $0x80, s26, s14, $0xb8;
	[tilespmem:$0x1E400] =	vst v63  }
0x3c: {  	_ =	swait.ge [sflag:s20], $0x3E80  }
.Ltmp0:
0x3d: {  	[sflag:s20] =	ssyncset.done $0x0;
	(pc) =	sbr.rel @p0 .LBB2_2-.Ltmp0, $4  }
0x3e: {  	s25 =	sadd.s32 $0x80, s25;
	[sflag:s20] =	ssyncadd.s32 $0xFFFFC180  }
0x3f: {  	[spmem:s2] =	stream.indirect.scatter.add.f32 [tilespmem:s18], [sflag:$0x3], $0x80, s25, s14, $0xb8;
	[tilespmem:$0x1E400] =	vst v63  }
0x40: {  	_ =	swait.ge [sflag:s12], $0x3E80  }
0x41: {  	s26 =	smov.u32 s30;
	s25 =	sshra.s32 s29, $0x2;
	[sflag:s12] =	ssyncset.done $0x0  }
0x42: {  	s26 =	sadd.s32 $0x1480, s25;
	[sflag:s12] =	ssyncadd.s32 $0xFFFFC180  }
0x43: {  	[tilespmem:s18], [sflag:$0x2] =	stream.indirect.gather [hbm4b:s1+s14], $0x80, s26, s14, $0xb8;
	[tilespmem:$0x1E400] =	vst v63  }
0x44: {  	_ =	swait.ge [sflag:s19], $0x3E80  }
0x45: {  	[sflag:s19] =	ssyncset.done $0x0  }
0x46: {  	[sflag:s19] =	ssyncadd.s32 $0xFFFFC180  }
0x47: {  	[spmem:s2] =	stream.indirect.scatter.add.f32 [tilespmem:s15], [sflag:$0x3], $0x80, s25, s14, $0xb8;
	[tilespmem:$0x1E400] =	vst v63  }
0x48: {  	_ =	swait.ge [sflag:s12], $0x3E80  }
0x49: {  	[sflag:s12] =	ssyncset.done $0x0  }
0x4a: {  	s30 =	sadd.s32 $0x1500, s25;
	[sflag:s12] =	ssyncadd.s32 $0xFFFFC180  }
0x4b: {  	[tilespmem:s15], [sflag:$0x1] =	stream.indirect.gather [hbm4b:s1+s14], $0x80, s30, s14, $0xb8;
	[tilespmem:$0x1E400] =	vst v63  }
0x4c: {  	_ =	swait.ge [sflag:s20], $0x3E80  }
0x4d: {  	[sflag:s20] =	ssyncset.done $0x0  }
0x4e: {  	s31 =	sadd.s32 $0x80, s25;
	[sflag:s20] =	ssyncadd.s32 $0xFFFFC180  }
0x4f: {  	[spmem:s2] =	stream.indirect.scatter.add.f32 [tilespmem:s18], [sflag:$0x3], $0x80, s31, s14, $0xb8;
	[tilespmem:$0x1E400] =	vst v63  }
0x50: {  	_ =	swait.ge [sflag:s12], $0x3E80  }
0x51: {  	[sflag:s12] =	ssyncset.done $0x0  }
0x52: {  	[sflag:s12] =	ssyncadd.s32 $0xFFFFC180  }
0x53: {  	[tilespmem:s18], [sflag:$0x2] =	stream.indirect.gather [hbm4b:s1+s14], $0x80, s21, s14, $0xb8;
	[tilespmem:$0x1E400] =	vst v63  }
0x54: {  	_ =	swait.ge [sflag:s19], $0x3E80  }
0x55: {  	[sflag:s19] =	ssyncset.done $0x0  }
0x56: {  	[sflag:s19] =	ssyncadd.s32 $0xFFFFC180  }
0x57: {  	[spmem:s2] =	stream.indirect.scatter.add.f32 [tilespmem:s15], [sflag:$0x3], $0x80, s22, s14, $0xb8;
	[tilespmem:$0x1E400] =	vst v63  }
0x58: {  	_ =	swait.ge [sflag:s12], $0x3E80  }
0x59: {  	[sflag:s12] =	ssyncset.done $0x0  }
0x5a: {  	[sflag:s12] =	ssyncadd.s32 $0xFFFFC180  }
0x5b: {  	_ =	swait.ge [sflag:s20], $0x3E80  }
0x5c: {  	[sflag:s20] =	ssyncset.done $0x0  }
0x5d: {  	[sflag:s20] =	ssyncadd.s32 $0xFFFFC180  }
0x5e: {  	[spmem:s2] =	stream.indirect.scatter.add.f32 [tilespmem:s18], [sflag:$0x3], $0x80, s23, s14, $0xb8;
	[tilespmem:$0x1E400] =	vst v63  }
0x5f: {  	_ =	swait.ge [sflag:s12], $0x3E80  }
0x60: {  	[sflag:s12] =	ssyncset.done $0x0  }
0x61: {  	s26 =	simm.s32 $0x0;
	[sflag:s12] =	ssyncadd.s32 $0xFFFFC180  }
0x62: {  	[tilespmem:s26], [sflag:$0x3] =	stream.linear.gather [hbm4b:s8+s26], $0x1400, $0x38;
	[tilespmem:$0x1E400] =	vst v63  }
0x63: {  	_ =	swait.ge [sflag:s12], $0x1400  }
0x64: {  	[sflag:s12] =	ssyncset.done $0x0  }
0x65: {  	[sflag:s12] =	ssyncadd.s32 $0xFFFFEC00  }
0x66: {  	[tilespmem:s13], [sflag:$0x3] =	stream.linear.gather [hbm4b:s9+s26], $0x1400, $0x38;
	[tilespmem:$0x1E400] =	vst v63  }
0x67: {  	_ =	swait.ge [sflag:s12], $0x1400  }
0x68: {  	[sflag:s12] =	ssyncset.done $0x0  }
0x69: {  	[sflag:s12] =	ssyncadd.s32 $0xFFFFEC00  }
0x6a: {  	[tilespmem:s15], [sflag:$0x1] =	stream.indirect.gather [hbm4b:s1+s14], $0x80, s13, s14, $0xb8;
	[tilespmem:$0x1E400] =	vst v63  }
0x6b: {  	s28 =	simm.s32 $0x1480  }
0x6c: {  	[tilespmem:s18], [sflag:$0x2] =	stream.indirect.gather [hbm4b:s1+s14], $0x80, s28, s14, $0xb8;
	[tilespmem:$0x1E400] =	vst v63  }
0x6d: {  	_ =	swait.ge [sflag:s19], $0x3E80  }
0x6e: {  	[sflag:s19] =	ssyncset.done $0x0  }
0x6f: {  	s29 =	simm.s32 $0x0;
	[sflag:s19] =	ssyncadd.s32 $0xFFFFC180  }
0x70: {  	[spmem:s2] =	stream.indirect.scatter.add.f32 [tilespmem:s15], [sflag:$0x3], $0x80, s29, s14, $0xb8;
	[tilespmem:$0x1E400] =	vst v63  }
0x71: {  	_ =	swait.ge [sflag:s12], $0x3E80  }
0x72: {  	[sflag:s12] =	ssyncset.done $0x0  }
0x73: {  	s30 =	simm.s32 $0x1500;
	[sflag:s12] =	ssyncadd.s32 $0xFFFFC180  }
0x74: {  	[tilespmem:s15], [sflag:$0x1] =	stream.indirect.gather [hbm4b:s1+s14], $0x80, s30, s14, $0xb8;
	[tilespmem:$0x1E400] =	vst v63  }
0x75: {  	_ =	swait.ge [sflag:s20], $0x3E80  }
0x76: {  	[sflag:s20] =	ssyncset.done $0x0  }
0x77: {  	s31 =	simm.s32 $0x80;
	[sflag:s20] =	ssyncadd.s32 $0xFFFFC180  }
0x78: {  	[spmem:s2] =	stream.indirect.scatter.add.f32 [tilespmem:s18], [sflag:$0x3], $0x80, s31, s14, $0xb8;
	[tilespmem:$0x1E400] =	vst v63  }
0x79: {  	_ =	swait.ge [sflag:s12], $0x3E80  }
0x7a: {  	s25 =	simm.s32 $0x100;
	s26 =	simm.s32 $0x800;
	[sflag:s12] =	ssyncset.done $0x0  }
.LBB2_4:
0x7b: {  	s28 =	sadd.s32 $0x1480, s25  }
0x7c: {  	[sflag:s12] =	ssyncadd.s32 $0xFFFFC180;
	s29 =	smov.u32 s26;
	s30 =	sadd.s32 $0x400, s26  }
0x7d: {  	[tilespmem:s18], [sflag:$0x2] =	stream.indirect.gather [hbm4b:s1+s14], $0x80, s28, s14, $0xb8;
	[tilespmem:$0x1E400] =	vst v63  }
0x7e: {  	p0 =	sne.s32 s26, $0x4800;
	_ =	swait.ge [sflag:s19], $0x3E80  }
0x7f: {  	[sflag:s19] =	ssyncset.done $0x0  }
0x80: {  	[sflag:s19] =	ssyncadd.s32 $0xFFFFC180  }
0x81: {  	[spmem:s2] =	stream.indirect.scatter.add.f32 [tilespmem:s15], [sflag:$0x3], $0x80, s25, s14, $0xb8;
	[tilespmem:$0x1E400] =	vst v63  }
0x82: {  	_ =	swait.ge [sflag:s12], $0x3E80  }
0x83: {  	[sflag:s12] =	ssyncset.done $0x0  }
0x84: {  	s26 =	sadd.s32 $0x1500, s25;
	[sflag:s12] =	ssyncadd.s32 $0xFFFFC180  }
0x85: {  	[tilespmem:s15], [sflag:$0x1] =	stream.indirect.gather [hbm4b:s1+s14], $0x80, s26, s14, $0xb8;
	[tilespmem:$0x1E400] =	vst v63  }
0x86: {  	_ =	swait.ge [sflag:s20], $0x3E80  }
.Ltmp1:
0x87: {  	[sflag:s20] =	ssyncset.done $0x0;
	(pc) =	sbr.rel @p0 .LBB2_4-.Ltmp1, $4  }
0x88: {  	s25 =	sadd.s32 $0x80, s25;
	[sflag:s20] =	ssyncadd.s32 $0xFFFFC180  }
0x89: {  	[spmem:s2] =	stream.indirect.scatter.add.f32 [tilespmem:s18], [sflag:$0x3], $0x80, s25, s14, $0xb8;
	[tilespmem:$0x1E400] =	vst v63  }
0x8a: {  	_ =	swait.ge [sflag:s12], $0x3E80  }
0x8b: {  	s26 =	smov.u32 s30;
	s25 =	sshra.s32 s29, $0x2;
	[sflag:s12] =	ssyncset.done $0x0  }
0x8c: {  	s26 =	sadd.s32 $0x1480, s25;
	[sflag:s12] =	ssyncadd.s32 $0xFFFFC180  }
0x8d: {  	[tilespmem:s18], [sflag:$0x2] =	stream.indirect.gather [hbm4b:s1+s14], $0x80, s26, s14, $0xb8;
	[tilespmem:$0x1E400] =	vst v63  }
0x8e: {  	_ =	swait.ge [sflag:s19], $0x3E80  }
0x8f: {  	[sflag:s19] =	ssyncset.done $0x0  }
0x90: {  	[sflag:s19] =	ssyncadd.s32 $0xFFFFC180  }
0x91: {  	[spmem:s2] =	stream.indirect.scatter.add.f32 [tilespmem:s15], [sflag:$0x3], $0x80, s25, s14, $0xb8;
	[tilespmem:$0x1E400] =	vst v63  }
0x92: {  	_ =	swait.ge [sflag:s12], $0x3E80  }
0x93: {  	[sflag:s12] =	ssyncset.done $0x0  }
0x94: {  	s30 =	sadd.s32 $0x1500, s25;
	[sflag:s12] =	ssyncadd.s32 $0xFFFFC180  }
0x95: {  	[tilespmem:s15], [sflag:$0x1] =	stream.indirect.gather [hbm4b:s1+s14], $0x80, s30, s14, $0xb8;
	[tilespmem:$0x1E400] =	vst v63  }
0x96: {  	_ =	swait.ge [sflag:s20], $0x3E80  }
0x97: {  	[sflag:s20] =	ssyncset.done $0x0  }
0x98: {  	s31 =	sadd.s32 $0x80, s25;
	[sflag:s20] =	ssyncadd.s32 $0xFFFFC180  }
0x99: {  	[spmem:s2] =	stream.indirect.scatter.add.f32 [tilespmem:s18], [sflag:$0x3], $0x80, s31, s14, $0xb8;
	[tilespmem:$0x1E400] =	vst v63  }
0x9a: {  	_ =	swait.ge [sflag:s12], $0x3E80  }
0x9b: {  	[sflag:s12] =	ssyncset.done $0x0  }
0x9c: {  	[sflag:s12] =	ssyncadd.s32 $0xFFFFC180  }
0x9d: {  	[tilespmem:s18], [sflag:$0x2] =	stream.indirect.gather [hbm4b:s1+s14], $0x80, s21, s14, $0xb8;
	[tilespmem:$0x1E400] =	vst v63  }
0x9e: {  	_ =	swait.ge [sflag:s19], $0x3E80  }
0x9f: {  	[sflag:s19] =	ssyncset.done $0x0  }
0xa0: {  	[sflag:s19] =	ssyncadd.s32 $0xFFFFC180  }
0xa1: {  	[spmem:s2] =	stream.indirect.scatter.add.f32 [tilespmem:s15], [sflag:$0x3], $0x80, s22, s14, $0xb8;
	[tilespmem:$0x1E400] =	vst v63  }
0xa2: {  	_ =	swait.ge [sflag:s12], $0x3E80  }
0xa3: {  	[sflag:s12] =	ssyncset.done $0x0  }
0xa4: {  	[sflag:s12] =	ssyncadd.s32 $0xFFFFC180  }
0xa5: {  	_ =	swait.ge [sflag:s20], $0x3E80  }
0xa6: {  	[sflag:s20] =	ssyncset.done $0x0  }
0xa7: {  	[sflag:s20] =	ssyncadd.s32 $0xFFFFC180  }
0xa8: {  	[spmem:s2] =	stream.indirect.scatter.add.f32 [tilespmem:s18], [sflag:$0x3], $0x80, s23, s14, $0xb8;
	[tilespmem:$0x1E400] =	vst v63  }
0xa9: {  	_ =	swait.ge [sflag:s12], $0x3E80  }
0xaa: {  	s24 =	sadd.s32 $0x1, s24;
	[sflag:s12] =	ssyncset.done $0x0  }
0xab: {  	p0 =	sne.s32 s24, s11;
	[sflag:s12] =	ssyncadd.s32 $0xFFFFC180  }
.Ltmp2:
0xac: {  	[bflag:$0x0] =	sbarrier.arrive $0xFFFF;
	(pc) =	sbr.rel @p0 .LBB2_1-.Ltmp2, $4  }
0xad: {  	[hbm:s10], [sflag:s16] =	dma.local [spmem:s17], $0x2780  }
0xae: {  	_ =	swait.ge [sflag:s12], $0x2780  }
0xaf: {  	[sflag:s12] =	ssyncset.done $0x0  }
0xb0: {  	[sflag:s12] =	ssyncadd.s32 $0xFFFFD880  }
0xb1: {  	_ =	sfence.sel $0x180000  }
0xb2: {  	[bflag:$0x0] =	sbarrier.arrive $0xFFFF  }
0xb3: {  	p0 =	sne.s32 s3, $0x0;
	_ =	strace $0x9000004A  }
0xb4: {  	s0 =	sadd.s32 @!p0 $0x100000, s0;
	[bflag:$0x2] =	sbarrier.arrive $0xFFFF  }
0xb5: {  	[sflag:s0] =	ssyncadd.tile.s32 @!p0 $0x1;
	_ =	shalt  }
.Lfunc_end2:
_tile_overlayer_lowered:
.L_overlay_start_2:
0xb6: {  	(tag) =	ssettag $0x2  }
0xb7: {  	s0 =	rddreg [dreg:$0x0];
	s2 =	stileid.u32  }
0xb8: {  	s1 =	rddreg [dreg:$0x1];
	p0 =	sne.s32 s2, $0x0  }
0xb9: {  	s3 =	rddreg [dreg:$0x2];
	[bflag:$0x3] =	sbarrier.arrive $0xFFFF;
	s2 =	simm.s32 @!p0 $0x1C03  }
0xba: {  	[timem:s3], [sflag:s2] =	dma.local @!p0 [hbm:s0], s1  }
0xbb: {  	s0 =	simm.s32 @!p0 $0x3  }
0xbc: {  	_ =	swait.ge @!p0 [sflag:s0], s1  }
0xbd: {  	s1 =	ssub.s32 @!p0 $0x0, s1;
	[sflag:s0] =	ssyncset.done @!p0 $0x0  }
0xbe: {  	[sflag:s0] =	ssyncadd.s32 @!p0 s1  }
0xbf: {  	[bflag:$0x3] =	sbarrier.arrive $0xFFFF  }
0xc0: {  	_ =	shalt  }

</sc_bundles>
